<compile_context>
chip_gen: v7x
topology: tpu7x:2x2x1
jax: 0.10.2.dev20260603
libtpu: 0.0.44.dev20260713+nightly
codegen_flags: <defaults>
</compile_context>

<pallas_src>
import functools

import jax
import jax.numpy as jnp
from jax import lax
from jax.experimental import pallas as pl
from jax.experimental.pallas import tpu as pltpu
from jax.experimental.pallas import tpu_sc as plsc

N = 50000
D = 256
H = 256
G = 128
R = 2000
T = N // R
W = 32

NC = 2
NS = 16
NW = NC * NS
CHUNK = 1552
TAIL = N - NW * CHUNK
VPW = CHUNK // 16
VPT = TAIL // 16


def _score_kernel(bounds_ref, b_ref, h_ref, W1_ref, b1_ref, W2_ref, b2_ref,
                  w_ref, m_ref, m_s, W1_s, b1_s):
    i = pl.program_id(0)

    @pl.when(i == 0)
    def _init():
        m_s[...] = jnp.full_like(m_s, -1e9)
        W1_s[...] = (W1_ref[...] * 0.5).astype(jnp.bfloat16)
        b1_s[...] = b1_ref[...] * 0.5

    bt = b_ref[0]
    g_first = bounds_ref[i, 0]
    g_last = bounds_ref[i, 1]
    g0 = pl.multiple_of(jnp.minimum((g_first // 8) * 8, G - W), 8)
    fast = g_last < g0 + W

    hb = h_ref[...].astype(jnp.bfloat16)
    y = jnp.dot(hb, W1_s[...], preferred_element_type=jnp.float32) + b1_s[...]
    x = y + y * jnp.tanh(y)
    w = jax.lax.dot_general(W2_ref[...], x, (((0,), (1,)), ((), ())),
                            preferred_element_type=jnp.float32)
    w = w + b2_ref[...]
    w = jnp.nan_to_num(w, nan=0.0, posinf=10.0, neginf=-10.0)
    w_ref[0] = w

    def _max_update(wsz, base):
        gids = base + jax.lax.broadcasted_iota(jnp.int32, (wsz, R), 0)
        mask = bt == gids
        tmax = jnp.max(jnp.where(mask, w, -1e9), axis=1, keepdims=True)
        m_s[pl.ds(base, wsz), :] = jnp.maximum(m_s[pl.ds(base, wsz), :], tmax)

    @pl.when(fast)
    def _f():
        _max_update(W, g0)

    @pl.when(jnp.logical_not(fast))
    def _s():
        _max_update(G, 0)

    @pl.when(i == T - 1)
    def _fin():
        m_ref[...] = m_s[...]


def _softmax_sc_kernel(w_hbm, b_hbm, m_hbm, e_hbm, s_hbm,
                       w_v, i_v, m_v, e_v, s_v):
    wid = lax.axis_index("s") * NC + lax.axis_index("c")
    base = wid * CHUNK
    pltpu.sync_copy(w_hbm.at[pl.ds(base, CHUNK)], w_v.at[pl.ds(0, CHUNK)])
    pltpu.sync_copy(b_hbm.at[pl.ds(base, CHUNK)], i_v.at[pl.ds(0, CHUNK)])
    pltpu.sync_copy(m_hbm, m_v)

    @pl.when(wid == 0)
    def _load_tail():
        pltpu.sync_copy(w_hbm.at[pl.ds(NW * CHUNK, TAIL)],
                        w_v.at[pl.ds(CHUNK, TAIL)])
        pltpu.sync_copy(b_hbm.at[pl.ds(NW * CHUNK, TAIL)],
                        i_v.at[pl.ds(CHUNK, TAIL)])

    for k in range(8):
        s_v[pl.ds(k * 16, 16)] = jnp.zeros((16,), jnp.float32)

    def body(j, _):
        idx = i_v[pl.ds(j * 16, 16)]
        wv = w_v[pl.ds(j * 16, 16)]
        mg = plsc.load_gather(m_v, [idx])
        e = jnp.exp(jnp.clip(wv - mg, -10.0, 0.0))
        e_v[pl.ds(j * 16, 16)] = e
        plsc.addupdate_scatter(s_v, [idx], e)
        return _

    lax.fori_loop(0, VPW, body, None)

    @pl.when(wid == 0)
    def _tail_body():
        lax.fori_loop(VPW, VPW + VPT, body, None)

    pltpu.sync_copy(e_v.at[pl.ds(0, CHUNK)], e_hbm.at[pl.ds(base, CHUNK)])
    pltpu.sync_copy(s_v, s_hbm.at[wid])

    @pl.when(wid == 0)
    def _store_tail():
        pltpu.sync_copy(e_v.at[pl.ds(CHUNK, TAIL)],
                        e_hbm.at[pl.ds(NW * CHUNK, TAIL)])


def _pool_kernel(bounds_ref, b_ref, h_ref, e_ref, s_ref, out_ref, num_s):
    i = pl.program_id(0)

    @pl.when(i == 0)
    def _init():
        num_s[...] = jnp.zeros_like(num_s)

    bt = b_ref[0]
    e = e_ref[0]
    g_first = bounds_ref[i, 0]
    g_last = bounds_ref[i, 1]
    g0 = pl.multiple_of(jnp.minimum((g_first // 8) * 8, G - W), 8)
    fast = g_last < g0 + W

    hb = h_ref[...].astype(jnp.bfloat16)

    def _pool_update(wsz, base):
        gids = base + jax.lax.broadcasted_iota(jnp.int32, (wsz, R), 0)
        mask = bt == gids
        A = jnp.where(mask, e, 0.0)
        num_s[pl.ds(base, wsz), :] += jnp.dot(
            A.astype(jnp.bfloat16), hb, preferred_element_type=jnp.float32)

    @pl.when(fast)
    def _f():
        _pool_update(W, g0)

    @pl.when(jnp.logical_not(fast))
    def _s():
        _pool_update(G, 0)

    @pl.when(i == T - 1)
    def _fin():
        ones = jnp.ones((NW, 1), jnp.float32)
        s_col = jax.lax.dot_general(s_ref[...], ones,
                                    (((0,), (0,)), ((), ())),
                                    preferred_element_type=jnp.float32)
        out_ref[...] = num_s[...] / (s_col + 1e-6)


@functools.partial(jax.jit, static_argnames=("interpret",))
def _attention_pool(h, batch, W1, b1, W2, b2, interpret=False):
    b2d = batch.astype(jnp.int32).reshape(T, R)
    bounds = jnp.stack([b2d[:, 0], b2d[:, -1]], axis=1)
    batch3 = b2d.reshape(T, 1, R)
    b1r = b1.reshape(1, H)
    b2r = b2.reshape(1, 1)

    w2d, m = pl.pallas_call(
        _score_kernel,
        grid=(T,),
        in_specs=[
            pl.BlockSpec(memory_space=pltpu.SMEM),
            pl.BlockSpec((1, 1, R), lambda i: (i, 0, 0)),
            pl.BlockSpec((R, D), lambda i: (i, 0)),
            pl.BlockSpec((D, H), lambda i: (0, 0)),
            pl.BlockSpec((1, H), lambda i: (0, 0)),
            pl.BlockSpec((H, 1), lambda i: (0, 0)),
            pl.BlockSpec((1, 1), lambda i: (0, 0)),
        ],
        out_specs=[
            pl.BlockSpec((1, 1, R), lambda i: (i, 0, 0)),
            pl.BlockSpec((G, 1), lambda i: (0, 0)),
        ],
        out_shape=[
            jax.ShapeDtypeStruct((T, 1, R), jnp.float32),
            jax.ShapeDtypeStruct((G, 1), jnp.float32),
        ],
        scratch_shapes=[
            pltpu.VMEM((G, 1), jnp.float32),
            pltpu.VMEM((D, H), jnp.bfloat16),
            pltpu.VMEM((1, H), jnp.float32),
        ],
        interpret=interpret,
    )(bounds, batch3, h, W1, b1r, W2, b2r)

    sc = pl.kernel(
        _softmax_sc_kernel,
        mesh=plsc.VectorSubcoreMesh(core_axis_name="c", subcore_axis_name="s"),
        compiler_params=pltpu.CompilerParams(needs_layout_passes=False),
        out_type=[
            jax.ShapeDtypeStruct((N,), jnp.float32),
            jax.ShapeDtypeStruct((NW, G), jnp.float32),
        ],
        scratch_types=[
            pltpu.VMEM((CHUNK + TAIL,), jnp.float32),
            pltpu.VMEM((CHUNK + TAIL,), jnp.int32),
            pltpu.VMEM((G,), jnp.float32),
            pltpu.VMEM((CHUNK + TAIL,), jnp.float32),
            pltpu.VMEM((G,), jnp.float32),
        ],
    )
    e_flat, s_parts = sc(w2d.reshape(N), batch.astype(jnp.int32),
                         m.reshape(G))

    out = pl.pallas_call(
        _pool_kernel,
        grid=(T,),
        in_specs=[
            pl.BlockSpec(memory_space=pltpu.SMEM),
            pl.BlockSpec((1, 1, R), lambda i: (i, 0, 0)),
            pl.BlockSpec((R, D), lambda i: (i, 0)),
            pl.BlockSpec((1, 1, R), lambda i: (i, 0, 0)),
            pl.BlockSpec((NW, G), lambda i: (0, 0)),
        ],
        out_specs=pl.BlockSpec((G, D), lambda i: (0, 0)),
        out_shape=jax.ShapeDtypeStruct((G, D), jnp.float32),
        scratch_shapes=[
            pltpu.VMEM((G, D), jnp.float32),
        ],
        interpret=interpret,
    )(bounds, batch3, h, e_flat.reshape(T, 1, R), s_parts)
    return out


def kernel(h, batch, num_graphs, W1, b1, W2, b2):
    return _attention_pool(h, batch, W1, b1, W2, b2)

# --- scband reference (transcript-rebuilt; emitter-appended) ---
"""Pipeline reference for scband-attention-pool-22393959481501 (READ-ONLY COPY).

The authoritative reference and input builder live on the scoring server;
editing this copy changes nothing except your own understanding.
"""

import jax, jax.numpy as jnp
import numpy as np


def setup_inputs(seed: int = 0) -> dict:
    key = jax.random.key(seed)
    k1, k2, k3, k4 = jax.random.split(key, 4)
    N, D, H, G = 50000, 256, 256, 128
    h = jax.random.normal(k1, (N, D), dtype=jnp.float32)
    batch = jnp.sort(jax.random.randint(k2, (N,), 0, G))
    W1 = jax.random.normal(k3, (D, H), dtype=jnp.float32) * (1.0 / np.sqrt(D))
    b1 = jnp.zeros((H,), dtype=jnp.float32)
    W2 = jax.random.normal(k4, (H, 1), dtype=jnp.float32) * (1.0 / np.sqrt(H))
    b2 = jnp.zeros((1,), dtype=jnp.float32)
    return {"h": h, "batch": batch, "num_graphs": G, "W1": W1, "b1": b1, "W2": W2, "b2": b2}


def reference(h, batch, num_graphs, W1, b1, W2, b2):
    num_segments = 128
    g = jnp.asarray(num_graphs, dtype=jnp.float32)
    # gate: Linear -> SiLU -> Linear(1)
    x = h @ W1 + b1
    x = x * jax.nn.sigmoid(x)
    weights = x @ W2 + b2  # [N, 1]
    weights = jnp.nan_to_num(weights, nan=0.0, posinf=10.0, neginf=-10.0)
    weights = weights + (g - g)
    # index_reduce_(amax, include_self=False): empty segments keep -1e9
    seg_max = jax.ops.segment_max(weights, batch, num_segments=num_segments)  # [G, 1]
    seg_max = jnp.maximum(seg_max, jnp.float32(-1000000000.0))
    exp_w = jnp.exp(jnp.clip(weights - seg_max[batch], -10.0, 0.0))
    sum_exp = jax.ops.segment_sum(exp_w, batch, num_segments=num_segments)  # [G, 1]
    alpha = exp_w / (sum_exp[batch] + 1e-06)
    weighted_h = h * alpha
    graph_h = jax.ops.segment_sum(weighted_h, batch, num_segments=num_segments)  # [G, D]
    return graph_h

if __name__ == "__main__":
    import jax
    _d = setup_inputs()
    print(jax.jit(kernel)(*tuple(_d.values())))

</pallas_src>

<mosaic_0001>
#map = affine_map<(d0, d1) -> (0)>
#map1 = affine_map<(d0, d1) -> (0, 0)>
module attributes {stable_mosaic.version = 14 : i64} {
  func.func @_softmax_sc_kernel(%arg0: i32, %arg1: i32, %arg2: memref<50000xf32, #tpu.memory_space<hbm>>, %arg3: memref<50000xi32, #tpu.memory_space<hbm>>, %arg4: memref<128xf32, #tpu.memory_space<hbm>>, %arg5: memref<50000xf32, #tpu.memory_space<hbm>>, %arg6: memref<32x128xf32, #tpu.memory_space<hbm>>, %arg7: memref<1888xf32, #tpu.memory_space<vmem>>, %arg8: memref<1888xi32, #tpu.memory_space<vmem>>, %arg9: memref<128xf32, #tpu.memory_space<vmem>>, %arg10: memref<1888xf32, #tpu.memory_space<vmem>>, %arg11: memref<128xf32, #tpu.memory_space<vmem>>) attributes {dimension_semantics = [#tpu.dimension_semantics<core_parallel>, #tpu.dimension_semantics<subcore_parallel>], iteration_bounds = array<i64: 2, 16>, scalar_prefetch = 0 : i64, scratch_operands = 5 : i64, tpu.core_type = #tpu.core_type<sc_vector_subcore>, window_params = [{transform_indices = #map}, {transform_indices = #map}, {transform_indices = #map}, {transform_indices = #map}, {transform_indices = #map1}]} {
    %mul3A = arith.constant 2 : i32
    %mul3A_0 = arith.muli %arg1, %mul3A : i32
    %add3A = arith.addi %mul3A_0, %arg0 : i32
    %mul3A_1 = arith.constant 1552 : i32
    %mul3A_2 = arith.muli %add3A, %mul3A_1 : i32
    "tpu.region"() ({
      %run_scoped3A = tpu.sem_alloc : memref<!tpu.dma_semaphore, #tpu.memory_space<semaphore_mem>>
      %dma_start3A = arith.constant 0 : i32
      %dma_start3A_49 = tpu.memref_slice %arg7[%dma_start3A] : memref<1888xf32, #tpu.memory_space<vmem>> -> memref<1552xf32, #tpu.memory_space<vmem>>
      %dma_start3A_50 = tpu.memref_slice %arg2[%mul3A_2] : memref<50000xf32, #tpu.memory_space<hbm>> -> memref<1552xf32, #tpu.memory_space<hbm>>
      %dma_start3A_51 = arith.constant 0 : i32
      %dma_start3A_52 = tpu.memref_slice %arg7[%dma_start3A_51] : memref<1888xf32, #tpu.memory_space<vmem>> -> memref<1552xf32, #tpu.memory_space<vmem>>
      %dma_start3A_53 = tpu.memref_slice %arg2[%mul3A_2] : memref<50000xf32, #tpu.memory_space<hbm>> -> memref<1552xf32, #tpu.memory_space<hbm>>
      tpu.enqueue_dma source(%dma_start3A_53 : memref<1552xf32, #tpu.memory_space<hbm>>) target(%dma_start3A_52 : memref<1552xf32, #tpu.memory_space<vmem>>) target_semaphore(%run_scoped3A : memref<!tpu.dma_semaphore, #tpu.memory_space<semaphore_mem>>)
      %dma_wait3A = arith.constant 0 : i32
      %dma_wait3A_54 = tpu.memref_slice %arg7[%dma_wait3A] : memref<1888xf32, #tpu.memory_space<vmem>> -> memref<1552xf32, #tpu.memory_space<vmem>>
      %dma_wait3A_55 = tpu.memref_slice %arg2[%mul3A_2] : memref<50000xf32, #tpu.memory_space<hbm>> -> memref<1552xf32, #tpu.memory_space<hbm>>
      %dma_wait3A_56 = arith.constant 0 : i32
      %dma_wait3A_57 = tpu.memref_slice %arg7[%dma_wait3A_56] : memref<1888xf32, #tpu.memory_space<vmem>> -> memref<1552xf32, #tpu.memory_space<vmem>>
      %dma_wait3A_58 = tpu.memref_slice %arg2[%mul3A_2] : memref<50000xf32, #tpu.memory_space<hbm>> -> memref<1552xf32, #tpu.memory_space<hbm>>
      tpu.wait_dma2 semaphore(%run_scoped3A : memref<!tpu.dma_semaphore, #tpu.memory_space<semaphore_mem>>) src(%dma_wait3A_58 : memref<1552xf32, #tpu.memory_space<hbm>>) dst(%dma_wait3A_57 : memref<1552xf32, #tpu.memory_space<vmem>>)
      tpu.yield
    }) : () -> ()
    "tpu.region"() ({
      %run_scoped3A = tpu.sem_alloc : memref<!tpu.dma_semaphore, #tpu.memory_space<semaphore_mem>>
      %dma_start3A = arith.constant 0 : i32
      %dma_start3A_49 = tpu.memref_slice %arg8[%dma_start3A] : memref<1888xi32, #tpu.memory_space<vmem>> -> memref<1552xi32, #tpu.memory_space<vmem>>
      %dma_start3A_50 = tpu.memref_slice %arg3[%mul3A_2] : memref<50000xi32, #tpu.memory_space<hbm>> -> memref<1552xi32, #tpu.memory_space<hbm>>
      %dma_start3A_51 = arith.constant 0 : i32
      %dma_start3A_52 = tpu.memref_slice %arg8[%dma_start3A_51] : memref<1888xi32, #tpu.memory_space<vmem>> -> memref<1552xi32, #tpu.memory_space<vmem>>
      %dma_start3A_53 = tpu.memref_slice %arg3[%mul3A_2] : memref<50000xi32, #tpu.memory_space<hbm>> -> memref<1552xi32, #tpu.memory_space<hbm>>
      tpu.enqueue_dma source(%dma_start3A_53 : memref<1552xi32, #tpu.memory_space<hbm>>) target(%dma_start3A_52 : memref<1552xi32, #tpu.memory_space<vmem>>) target_semaphore(%run_scoped3A : memref<!tpu.dma_semaphore, #tpu.memory_space<semaphore_mem>>)
      %dma_wait3A = arith.constant 0 : i32
      %dma_wait3A_54 = tpu.memref_slice %arg8[%dma_wait3A] : memref<1888xi32, #tpu.memory_space<vmem>> -> memref<1552xi32, #tpu.memory_space<vmem>>
      %dma_wait3A_55 = tpu.memref_slice %arg3[%mul3A_2] : memref<50000xi32, #tpu.memory_space<hbm>> -> memref<1552xi32, #tpu.memory_space<hbm>>
      %dma_wait3A_56 = arith.constant 0 : i32
      %dma_wait3A_57 = tpu.memref_slice %arg8[%dma_wait3A_56] : memref<1888xi32, #tpu.memory_space<vmem>> -> memref<1552xi32, #tpu.memory_space<vmem>>
      %dma_wait3A_58 = tpu.memref_slice %arg3[%mul3A_2] : memref<50000xi32, #tpu.memory_space<hbm>> -> memref<1552xi32, #tpu.memory_space<hbm>>
      tpu.wait_dma2 semaphore(%run_scoped3A : memref<!tpu.dma_semaphore, #tpu.memory_space<semaphore_mem>>) src(%dma_wait3A_58 : memref<1552xi32, #tpu.memory_space<hbm>>) dst(%dma_wait3A_57 : memref<1552xi32, #tpu.memory_space<vmem>>)
      tpu.yield
    }) : () -> ()
    "tpu.region"() ({
      %run_scoped3A = tpu.sem_alloc : memref<!tpu.dma_semaphore, #tpu.memory_space<semaphore_mem>>
      tpu.enqueue_dma source(%arg4 : memref<128xf32, #tpu.memory_space<hbm>>) target(%arg9 : memref<128xf32, #tpu.memory_space<vmem>>) target_semaphore(%run_scoped3A : memref<!tpu.dma_semaphore, #tpu.memory_space<semaphore_mem>>)
      tpu.wait_dma2 semaphore(%run_scoped3A : memref<!tpu.dma_semaphore, #tpu.memory_space<semaphore_mem>>) src(%arg4 : memref<128xf32, #tpu.memory_space<hbm>>) dst(%arg9 : memref<128xf32, #tpu.memory_space<vmem>>)
      tpu.yield
    }) : () -> ()
    %eq3A = arith.constant 0 : i32
    %eq3A_3 = arith.cmpi eq, %add3A, %eq3A : i32
    %convert_element_type3A = arith.extui %eq3A_3 : i1 to i32
    %cond3A = arith.constant 0 : i32
    %cond3A_4 = arith.cmpi ne, %convert_element_type3A, %cond3A : i32
    scf.if %cond3A_4 {
      "tpu.region"() ({
        %run_scoped3A = tpu.sem_alloc : memref<!tpu.dma_semaphore, #tpu.memory_space<semaphore_mem>>
        %dma_start3A = arith.constant 1552 : i32
        %dma_start3A_49 = tpu.memref_slice %arg7[%dma_start3A] : memref<1888xf32, #tpu.memory_space<vmem>> -> memref<336xf32, #tpu.memory_space<vmem>>
        %dma_start3A_50 = arith.constant 49664 : i32
        %dma_start3A_51 = tpu.memref_slice %arg2[%dma_start3A_50] : memref<50000xf32, #tpu.memory_space<hbm>> -> memref<336xf32, #tpu.memory_space<hbm>>
        %dma_start3A_52 = arith.constant 1552 : i32
        %dma_start3A_53 = tpu.memref_slice %arg7[%dma_start3A_52] : memref<1888xf32, #tpu.memory_space<vmem>> -> memref<336xf32, #tpu.memory_space<vmem>>
        %dma_start3A_54 = arith.constant 49664 : i32
        %dma_start3A_55 = tpu.memref_slice %arg2[%dma_start3A_54] : memref<50000xf32, #tpu.memory_space<hbm>> -> memref<336xf32, #tpu.memory_space<hbm>>
        tpu.enqueue_dma source(%dma_start3A_55 : memref<336xf32, #tpu.memory_space<hbm>>) target(%dma_start3A_53 : memref<336xf32, #tpu.memory_space<vmem>>) target_semaphore(%run_scoped3A : memref<!tpu.dma_semaphore, #tpu.memory_space<semaphore_mem>>)
        %dma_wait3A = arith.constant 1552 : i32
        %dma_wait3A_56 = tpu.memref_slice %arg7[%dma_wait3A] : memref<1888xf32, #tpu.memory_space<vmem>> -> memref<336xf32, #tpu.memory_space<vmem>>
        %dma_wait3A_57 = arith.constant 49664 : i32
        %dma_wait3A_58 = tpu.memref_slice %arg2[%dma_wait3A_57] : memref<50000xf32, #tpu.memory_space<hbm>> -> memref<336xf32, #tpu.memory_space<hbm>>
        %dma_wait3A_59 = arith.constant 1552 : i32
        %dma_wait3A_60 = tpu.memref_slice %arg7[%dma_wait3A_59] : memref<1888xf32, #tpu.memory_space<vmem>> -> memref<336xf32, #tpu.memory_space<vmem>>
        %dma_wait3A_61 = arith.constant 49664 : i32
        %dma_wait3A_62 = tpu.memref_slice %arg2[%dma_wait3A_61] : memref<50000xf32, #tpu.memory_space<hbm>> -> memref<336xf32, #tpu.memory_space<hbm>>
        tpu.wait_dma2 semaphore(%run_scoped3A : memref<!tpu.dma_semaphore, #tpu.memory_space<semaphore_mem>>) src(%dma_wait3A_62 : memref<336xf32, #tpu.memory_space<hbm>>) dst(%dma_wait3A_60 : memref<336xf32, #tpu.memory_space<vmem>>)
        tpu.yield
      }) : () -> ()
      "tpu.region"() ({
        %run_scoped3A = tpu.sem_alloc : memref<!tpu.dma_semaphore, #tpu.memory_space<semaphore_mem>>
        %dma_start3A = arith.constant 1552 : i32
        %dma_start3A_49 = tpu.memref_slice %arg8[%dma_start3A] : memref<1888xi32, #tpu.memory_space<vmem>> -> memref<336xi32, #tpu.memory_space<vmem>>
        %dma_start3A_50 = arith.constant 49664 : i32
        %dma_start3A_51 = tpu.memref_slice %arg3[%dma_start3A_50] : memref<50000xi32, #tpu.memory_space<hbm>> -> memref<336xi32, #tpu.memory_space<hbm>>
        %dma_start3A_52 = arith.constant 1552 : i32
        %dma_start3A_53 = tpu.memref_slice %arg8[%dma_start3A_52] : memref<1888xi32, #tpu.memory_space<vmem>> -> memref<336xi32, #tpu.memory_space<vmem>>
        %dma_start3A_54 = arith.constant 49664 : i32
        %dma_start3A_55 = tpu.memref_slice %arg3[%dma_start3A_54] : memref<50000xi32, #tpu.memory_space<hbm>> -> memref<336xi32, #tpu.memory_space<hbm>>
        tpu.enqueue_dma source(%dma_start3A_55 : memref<336xi32, #tpu.memory_space<hbm>>) target(%dma_start3A_53 : memref<336xi32, #tpu.memory_space<vmem>>) target_semaphore(%run_scoped3A : memref<!tpu.dma_semaphore, #tpu.memory_space<semaphore_mem>>)
        %dma_wait3A = arith.constant 1552 : i32
        %dma_wait3A_56 = tpu.memref_slice %arg8[%dma_wait3A] : memref<1888xi32, #tpu.memory_space<vmem>> -> memref<336xi32, #tpu.memory_space<vmem>>
        %dma_wait3A_57 = arith.constant 49664 : i32
        %dma_wait3A_58 = tpu.memref_slice %arg3[%dma_wait3A_57] : memref<50000xi32, #tpu.memory_space<hbm>> -> memref<336xi32, #tpu.memory_space<hbm>>
        %dma_wait3A_59 = arith.constant 1552 : i32
        %dma_wait3A_60 = tpu.memref_slice %arg8[%dma_wait3A_59] : memref<1888xi32, #tpu.memory_space<vmem>> -> memref<336xi32, #tpu.memory_space<vmem>>
        %dma_wait3A_61 = arith.constant 49664 : i32
        %dma_wait3A_62 = tpu.memref_slice %arg3[%dma_wait3A_61] : memref<50000xi32, #tpu.memory_space<hbm>> -> memref<336xi32, #tpu.memory_space<hbm>>
        tpu.wait_dma2 semaphore(%run_scoped3A : memref<!tpu.dma_semaphore, #tpu.memory_space<semaphore_mem>>) src(%dma_wait3A_62 : memref<336xi32, #tpu.memory_space<hbm>>) dst(%dma_wait3A_60 : memref<336xi32, #tpu.memory_space<vmem>>)
        tpu.yield
      }) : () -> ()
    } else {
    }
    %broadcast_in_dim3A = arith.constant 0.000000e+00 : f32
    %broadcast_in_dim3A_5 = vector.broadcast %broadcast_in_dim3A : f32 to vector<16xf32>
    %swap3A = arith.constant 0 : index
    %swap3A_6 = tpu.vector_load %arg11[%swap3A] {strides = array<i32>} : memref<128xf32, #tpu.memory_space<vmem>>, vector<16xf32>,
    tpu.vector_store %arg11[%swap3A], %broadcast_in_dim3A_5 {strides = array<i32>} : memref<128xf32, #tpu.memory_space<vmem>>, vector<16xf32>,
    %broadcast_in_dim3A_7 = arith.constant 0.000000e+00 : f32
    %broadcast_in_dim3A_8 = vector.broadcast %broadcast_in_dim3A_7 : f32 to vector<16xf32>
    %swap3A_9 = arith.constant 16 : index
    %swap3A_10 = tpu.vector_load %arg11[%swap3A_9] {strides = array<i32>} : memref<128xf32, #tpu.memory_space<vmem>>, vector<16xf32>,
    tpu.vector_store %arg11[%swap3A_9], %broadcast_in_dim3A_8 {strides = array<i32>} : memref<128xf32, #tpu.memory_space<vmem>>, vector<16xf32>,
    %broadcast_in_dim3A_11 = arith.constant 0.000000e+00 : f32
    %broadcast_in_dim3A_12 = vector.broadcast %broadcast_in_dim3A_11 : f32 to vector<16xf32>
    %swap3A_13 = arith.constant 32 : index
    %swap3A_14 = tpu.vector_load %arg11[%swap3A_13] {strides = array<i32>} : memref<128xf32, #tpu.memory_space<vmem>>, vector<16xf32>,
    tpu.vector_store %arg11[%swap3A_13], %broadcast_in_dim3A_12 {strides = array<i32>} : memref<128xf32, #tpu.memory_space<vmem>>, vector<16xf32>,
    %broadcast_in_dim3A_15 = arith.constant 0.000000e+00 : f32
    %broadcast_in_dim3A_16 = vector.broadcast %broadcast_in_dim3A_15 : f32 to vector<16xf32>
    %swap3A_17 = arith.constant 48 : index
    %swap3A_18 = tpu.vector_load %arg11[%swap3A_17] {strides = array<i32>} : memref<128xf32, #tpu.memory_space<vmem>>, vector<16xf32>,
    tpu.vector_store %arg11[%swap3A_17], %broadcast_in_dim3A_16 {strides = array<i32>} : memref<128xf32, #tpu.memory_space<vmem>>, vector<16xf32>,
    %broadcast_in_dim3A_19 = arith.constant 0.000000e+00 : f32
    %broadcast_in_dim3A_20 = vector.broadcast %broadcast_in_dim3A_19 : f32 to vector<16xf32>
    %swap3A_21 = arith.constant 64 : index
    %swap3A_22 = tpu.vector_load %arg11[%swap3A_21] {strides = array<i32>} : memref<128xf32, #tpu.memory_space<vmem>>, vector<16xf32>,
    tpu.vector_store %arg11[%swap3A_21], %broadcast_in_dim3A_20 {strides = array<i32>} : memref<128xf32, #tpu.memory_space<vmem>>, vector<16xf32>,
    %broadcast_in_dim3A_23 = arith.constant 0.000000e+00 : f32
    %broadcast_in_dim3A_24 = vector.broadcast %broadcast_in_dim3A_23 : f32 to vector<16xf32>
    %swap3A_25 = arith.constant 80 : index
    %swap3A_26 = tpu.vector_load %arg11[%swap3A_25] {strides = array<i32>} : memref<128xf32, #tpu.memory_space<vmem>>, vector<16xf32>,
    tpu.vector_store %arg11[%swap3A_25], %broadcast_in_dim3A_24 {strides = array<i32>} : memref<128xf32, #tpu.memory_space<vmem>>, vector<16xf32>,
    %broadcast_in_dim3A_27 = arith.constant 0.000000e+00 : f32
    %broadcast_in_dim3A_28 = vector.broadcast %broadcast_in_dim3A_27 : f32 to vector<16xf32>
    %swap3A_29 = arith.constant 96 : index
    %swap3A_30 = tpu.vector_load %arg11[%swap3A_29] {strides = array<i32>} : memref<128xf32, #tpu.memory_space<vmem>>, vector<16xf32>,
    tpu.vector_store %arg11[%swap3A_29], %broadcast_in_dim3A_28 {strides = array<i32>} : memref<128xf32, #tpu.memory_space<vmem>>, vector<16xf32>,
    %broadcast_in_dim3A_31 = arith.constant 0.000000e+00 : f32
    %broadcast_in_dim3A_32 = vector.broadcast %broadcast_in_dim3A_31 : f32 to vector<16xf32>
    %swap3A_33 = arith.constant 112 : index
    %swap3A_34 = tpu.vector_load %arg11[%swap3A_33] {strides = array<i32>} : memref<128xf32, #tpu.memory_space<vmem>>, vector<16xf32>,
    tpu.vector_store %arg11[%swap3A_33], %broadcast_in_dim3A_32 {strides = array<i32>} : memref<128xf32, #tpu.memory_space<vmem>>, vector<16xf32>,
    %scan3A = arith.constant 0 : i32
    %scan3A_35 = arith.constant 97 : i32
    %scan3A_36 = arith.addi %scan3A, %scan3A_35 : i32
    %scan3A_37 = arith.constant 1 : i32
    scf.for %scan3A_49 = %scan3A to %scan3A_36 step %scan3A_37  : i32 {
      %mul3A_50 = arith.constant 16 : i32
      %mul3A_51 = arith.muli %scan3A_49, %mul3A_50 : i32
      %get3A = arith.index_cast %mul3A_51 : i32 to index
      %get3A_52 = tpu.vector_load %arg8[%get3A] {strides = array<i32>} : memref<1888xi32, #tpu.memory_space<vmem>>, vector<16xi32>,
      %mul3A_53 = arith.constant 16 : i32
      %mul3A_54 = arith.muli %scan3A_49, %mul3A_53 : i32
      %get3A_55 = arith.index_cast %mul3A_54 : i32 to index
      %get3A_56 = tpu.vector_load %arg7[%get3A_55] {strides = array<i32>} : memref<1888xf32, #tpu.memory_space<vmem>>, vector<16xf32>,
      %gather3A = tpu.vector_load_idx %arg9[%get3A_52] : memref<128xf32, #tpu.memory_space<vmem>>[vector<16xi32>], vector<16xf32>,
      %sub3A = arith.subf %get3A_56, %gather3A : vector<16xf32>
      %jit3A = arith.constant -1.000000e+01 : f32
      %jit3A_57 = arith.constant 0.000000e+00 : f32
      %max3A = vector.broadcast %jit3A : f32 to vector<16xf32>
      %max3A_58 = arith.maximumf %max3A, %sub3A : vector<16xf32>
      %min3A = vector.broadcast %jit3A_57 : f32 to vector<16xf32>
      %min3A_59 = arith.minimumf %min3A, %max3A_58 : vector<16xf32>
      %exp3A = math.exp %min3A_59 : vector<16xf32>
      %mul3A_60 = arith.constant 16 : i32
      %mul3A_61 = arith.muli %scan3A_49, %mul3A_60 : i32
      %swap3A_62 = arith.index_cast %mul3A_61 : i32 to index
      %swap3A_63 = tpu.vector_load %arg10[%swap3A_62] {strides = array<i32>} : memref<1888xf32, #tpu.memory_space<vmem>>, vector<16xf32>,
      tpu.vector_store %arg10[%swap3A_62], %exp3A {strides = array<i32>} : memref<1888xf32, #tpu.memory_space<vmem>>, vector<16xf32>,
      tpu.vector_store_idx %arg11[%get3A_52], %exp3A {add = true} : memref<128xf32, #tpu.memory_space<vmem>>[vector<16xi32>], vector<16xf32>,
    }
    %scan3A_38 = arith.constant 97 : i32
    %eq3A_39 = arith.constant 0 : i32
    %eq3A_40 = arith.cmpi eq, %add3A, %eq3A_39 : i32
    %convert_element_type3A_41 = arith.extui %eq3A_40 : i1 to i32
    %cond3A_42 = arith.constant 0 : i32
    %cond3A_43 = arith.cmpi ne, %convert_element_type3A_41, %cond3A_42 : i32
    scf.if %cond3A_43 {
      %scan3A_49 = arith.constant 97 : i32
      %scan3A_50 = arith.constant 21 : i32
      %scan3A_51 = arith.addi %scan3A_49, %scan3A_50 : i32
      %scan3A_52 = arith.constant 1 : i32
      scf.for %scan3A_54 = %scan3A_49 to %scan3A_51 step %scan3A_52  : i32 {
        %mul3A_55 = arith.constant 16 : i32
        %mul3A_56 = arith.muli %scan3A_54, %mul3A_55 : i32
        %get3A = arith.index_cast %mul3A_56 : i32 to index
        %get3A_57 = tpu.vector_load %arg8[%get3A] {strides = array<i32>} : memref<1888xi32, #tpu.memory_space<vmem>>, vector<16xi32>,
        %mul3A_58 = arith.constant 16 : i32
        %mul3A_59 = arith.muli %scan3A_54, %mul3A_58 : i32
        %get3A_60 = arith.index_cast %mul3A_59 : i32 to index
        %get3A_61 = tpu.vector_load %arg7[%get3A_60] {strides = array<i32>} : memref<1888xf32, #tpu.memory_space<vmem>>, vector<16xf32>,
        %gather3A = tpu.vector_load_idx %arg9[%get3A_57] : memref<128xf32, #tpu.memory_space<vmem>>[vector<16xi32>], vector<16xf32>,
        %sub3A = arith.subf %get3A_61, %gather3A : vector<16xf32>
        %jit3A = arith.constant -1.000000e+01 : f32
        %jit3A_62 = arith.constant 0.000000e+00 : f32
        %max3A = vector.broadcast %jit3A : f32 to vector<16xf32>
        %max3A_63 = arith.maximumf %max3A, %sub3A : vector<16xf32>
        %min3A = vector.broadcast %jit3A_62 : f32 to vector<16xf32>
        %min3A_64 = arith.minimumf %min3A, %max3A_63 : vector<16xf32>
        %exp3A = math.exp %min3A_64 : vector<16xf32>
        %mul3A_65 = arith.constant 16 : i32
        %mul3A_66 = arith.muli %scan3A_54, %mul3A_65 : i32
        %swap3A_67 = arith.index_cast %mul3A_66 : i32 to index
        %swap3A_68 = tpu.vector_load %arg10[%swap3A_67] {strides = array<i32>} : memref<1888xf32, #tpu.memory_space<vmem>>, vector<16xf32>,
        tpu.vector_store %arg10[%swap3A_67], %exp3A {strides = array<i32>} : memref<1888xf32, #tpu.memory_space<vmem>>, vector<16xf32>,
        tpu.vector_store_idx %arg11[%get3A_57], %exp3A {add = true} : memref<128xf32, #tpu.memory_space<vmem>>[vector<16xi32>], vector<16xf32>,
      }
      %scan3A_53 = arith.constant 21 : i32
    } else {
    }
    "tpu.region"() ({
      %run_scoped3A = tpu.sem_alloc : memref<!tpu.dma_semaphore, #tpu.memory_space<semaphore_mem>>
      %dma_start3A = arith.constant 0 : i32
      %dma_start3A_49 = tpu.memref_slice %arg10[%dma_start3A] : memref<1888xf32, #tpu.memory_space<vmem>> -> memref<1552xf32, #tpu.memory_space<vmem>>
      %dma_start3A_50 = tpu.memref_slice %arg5[%mul3A_2] : memref<50000xf32, #tpu.memory_space<hbm>> -> memref<1552xf32, #tpu.memory_space<hbm>>
      %dma_start3A_51 = tpu.memref_slice %arg5[%mul3A_2] : memref<50000xf32, #tpu.memory_space<hbm>> -> memref<1552xf32, #tpu.memory_space<hbm>>
      %dma_start3A_52 = arith.constant 0 : i32
      %dma_start3A_53 = tpu.memref_slice %arg10[%dma_start3A_52] : memref<1888xf32, #tpu.memory_space<vmem>> -> memref<1552xf32, #tpu.memory_space<vmem>>
      tpu.enqueue_dma source(%dma_start3A_53 : memref<1552xf32, #tpu.memory_space<vmem>>) target(%dma_start3A_51 : memref<1552xf32, #tpu.memory_space<hbm>>) target_semaphore(%run_scoped3A : memref<!tpu.dma_semaphore, #tpu.memory_space<semaphore_mem>>)
      %dma_wait3A = arith.constant 0 : i32
      %dma_wait3A_54 = tpu.memref_slice %arg10[%dma_wait3A] : memref<1888xf32, #tpu.memory_space<vmem>> -> memref<1552xf32, #tpu.memory_space<vmem>>
      %dma_wait3A_55 = tpu.memref_slice %arg5[%mul3A_2] : memref<50000xf32, #tpu.memory_space<hbm>> -> memref<1552xf32, #tpu.memory_space<hbm>>
      %dma_wait3A_56 = tpu.memref_slice %arg5[%mul3A_2] : memref<50000xf32, #tpu.memory_space<hbm>> -> memref<1552xf32, #tpu.memory_space<hbm>>
      %dma_wait3A_57 = arith.constant 0 : i32
      %dma_wait3A_58 = tpu.memref_slice %arg10[%dma_wait3A_57] : memref<1888xf32, #tpu.memory_space<vmem>> -> memref<1552xf32, #tpu.memory_space<vmem>>
      tpu.wait_dma2 semaphore(%run_scoped3A : memref<!tpu.dma_semaphore, #tpu.memory_space<semaphore_mem>>) src(%dma_wait3A_58 : memref<1552xf32, #tpu.memory_space<vmem>>) dst(%dma_wait3A_56 : memref<1552xf32, #tpu.memory_space<hbm>>)
      tpu.yield
    }) : () -> ()
    "tpu.region"() ({
      %run_scoped3A = tpu.sem_alloc : memref<!tpu.dma_semaphore, #tpu.memory_space<semaphore_mem>>
      %dma_start3A = arith.constant 0 : i32
      %dma_start3A_49 = tpu.memref_slice %arg6[%add3A, %dma_start3A] : memref<32x128xf32, #tpu.memory_space<hbm>> -> memref<1x128xf32, #tpu.memory_space<hbm>>
      %dma_start3A_50 = tpu.memref_squeeze %dma_start3A_49 : memref<1x128xf32, #tpu.memory_space<hbm>> -> memref<128xf32, #tpu.memory_space<hbm>>
      %dma_start3A_51 = arith.constant 0 : i32
      %dma_start3A_52 = tpu.memref_slice %arg6[%add3A, %dma_start3A_51] : memref<32x128xf32, #tpu.memory_space<hbm>> -> memref<1x128xf32, #tpu.memory_space<hbm>>
      %dma_start3A_53 = tpu.memref_squeeze %dma_start3A_52 : memref<1x128xf32, #tpu.memory_space<hbm>> -> memref<128xf32, #tpu.memory_space<hbm>>
      tpu.enqueue_dma source(%arg11 : memref<128xf32, #tpu.memory_space<vmem>>) target(%dma_start3A_53 : memref<128xf32, #tpu.memory_space<hbm>>) target_semaphore(%run_scoped3A : memref<!tpu.dma_semaphore, #tpu.memory_space<semaphore_mem>>)
      %dma_wait3A = arith.constant 0 : i32
      %dma_wait3A_54 = tpu.memref_slice %arg6[%add3A, %dma_wait3A] : memref<32x128xf32, #tpu.memory_space<hbm>> -> memref<1x128xf32, #tpu.memory_space<hbm>>
      %dma_wait3A_55 = tpu.memref_squeeze %dma_wait3A_54 : memref<1x128xf32, #tpu.memory_space<hbm>> -> memref<128xf32, #tpu.memory_space<hbm>>
      %dma_wait3A_56 = arith.constant 0 : i32
      %dma_wait3A_57 = tpu.memref_slice %arg6[%add3A, %dma_wait3A_56] : memref<32x128xf32, #tpu.memory_space<hbm>> -> memref<1x128xf32, #tpu.memory_space<hbm>>
      %dma_wait3A_58 = tpu.memref_squeeze %dma_wait3A_57 : memref<1x128xf32, #tpu.memory_space<hbm>> -> memref<128xf32, #tpu.memory_space<hbm>>
      tpu.wait_dma2 semaphore(%run_scoped3A : memref<!tpu.dma_semaphore, #tpu.memory_space<semaphore_mem>>) src(%arg11 : memref<128xf32, #tpu.memory_space<vmem>>) dst(%dma_wait3A_58 : memref<128xf32, #tpu.memory_space<hbm>>)
      tpu.yield
    }) : () -> ()
    %eq3A_44 = arith.constant 0 : i32
    %eq3A_45 = arith.cmpi eq, %add3A, %eq3A_44 : i32
    %convert_element_type3A_46 = arith.extui %eq3A_45 : i1 to i32
    %cond3A_47 = arith.constant 0 : i32
    %cond3A_48 = arith.cmpi ne, %convert_element_type3A_46, %cond3A_47 : i32
    scf.if %cond3A_48 {
      "tpu.region"() ({
        %run_scoped3A = tpu.sem_alloc : memref<!tpu.dma_semaphore, #tpu.memory_space<semaphore_mem>>
        %dma_start3A = arith.constant 1552 : i32
        %dma_start3A_49 = tpu.memref_slice %arg10[%dma_start3A] : memref<1888xf32, #tpu.memory_space<vmem>> -> memref<336xf32, #tpu.memory_space<vmem>>
        %dma_start3A_50 = arith.constant 49664 : i32
        %dma_start3A_51 = tpu.memref_slice %arg5[%dma_start3A_50] : memref<50000xf32, #tpu.memory_space<hbm>> -> memref<336xf32, #tpu.memory_space<hbm>>
        %dma_start3A_52 = arith.constant 49664 : i32
        %dma_start3A_53 = tpu.memref_slice %arg5[%dma_start3A_52] : memref<50000xf32, #tpu.memory_space<hbm>> -> memref<336xf32, #tpu.memory_space<hbm>>
        %dma_start3A_54 = arith.constant 1552 : i32
        %dma_start3A_55 = tpu.memref_slice %arg10[%dma_start3A_54] : memref<1888xf32, #tpu.memory_space<vmem>> -> memref<336xf32, #tpu.memory_space<vmem>>
        tpu.enqueue_dma source(%dma_start3A_55 : memref<336xf32, #tpu.memory_space<vmem>>) target(%dma_start3A_53 : memref<336xf32, #tpu.memory_space<hbm>>) target_semaphore(%run_scoped3A : memref<!tpu.dma_semaphore, #tpu.memory_space<semaphore_mem>>)
        %dma_wait3A = arith.constant 1552 : i32
        %dma_wait3A_56 = tpu.memref_slice %arg10[%dma_wait3A] : memref<1888xf32, #tpu.memory_space<vmem>> -> memref<336xf32, #tpu.memory_space<vmem>>
        %dma_wait3A_57 = arith.constant 49664 : i32
        %dma_wait3A_58 = tpu.memref_slice %arg5[%dma_wait3A_57] : memref<50000xf32, #tpu.memory_space<hbm>> -> memref<336xf32, #tpu.memory_space<hbm>>
        %dma_wait3A_59 = arith.constant 49664 : i32
        %dma_wait3A_60 = tpu.memref_slice %arg5[%dma_wait3A_59] : memref<50000xf32, #tpu.memory_space<hbm>> -> memref<336xf32, #tpu.memory_space<hbm>>
        %dma_wait3A_61 = arith.constant 1552 : i32
        %dma_wait3A_62 = tpu.memref_slice %arg10[%dma_wait3A_61] : memref<1888xf32, #tpu.memory_space<vmem>> -> memref<336xf32, #tpu.memory_space<vmem>>
        tpu.wait_dma2 semaphore(%run_scoped3A : memref<!tpu.dma_semaphore, #tpu.memory_space<semaphore_mem>>) src(%dma_wait3A_62 : memref<336xf32, #tpu.memory_space<vmem>>) dst(%dma_wait3A_60 : memref<336xf32, #tpu.memory_space<hbm>>)
        tpu.yield
      }) : () -> ()
    } else {
    }
    return
  }
}

module attributes {stable_mosaic.version = 14 : i64} {
  func.func @_score_kernel(%arg0: i32, %arg1: memref<25x2xi32, #tpu.memory_space<smem>>, %arg2: memref<1x1x2000xi32, #tpu.memory_space<vmem>>, %arg3: memref<2000x256xf32, #tpu.memory_space<vmem>>, %arg4: memref<256x256xf32, #tpu.memory_space<vmem>>, %arg5: memref<1x256xf32, #tpu.memory_space<vmem>>, %arg6: memref<256x1xf32, #tpu.memory_space<vmem>>, %arg7: memref<1x1xf32, #tpu.memory_space<vmem>>, %arg8: memref<1x1x2000xf32, #tpu.memory_space<vmem>>, %arg9: memref<128x1xf32, #tpu.memory_space<vmem>>, %arg10: memref<128x1xf32, #tpu.memory_space<vmem>>, %arg11: memref<256x256xbf16, #tpu.memory_space<vmem>>, %arg12: memref<1x256xf32, #tpu.memory_space<vmem>>) attributes {dimension_semantics = [#tpu.dimension_semantics<arbitrary>], iteration_bounds = array<i64: 25>, scalar_prefetch = 0 : i64, scratch_operands = 3 : i64, tpu.core_type = #tpu.core_type<tc>, window_params = [{transform_indices = @transform_0, window_bounds = array<i64: 25, 2>}, {transform_indices = @transform_1, window_bounds = array<i64: 1, 1, 2000>}, {transform_indices = @transform_2, window_bounds = array<i64: 2000, 256>}, {pipeline_mode = #tpu.pipeline_mode<synchronous>, transform_indices = @transform_3, window_bounds = array<i64: 256, 256>}, {pipeline_mode = #tpu.pipeline_mode<synchronous>, transform_indices = @transform_4, window_bounds = array<i64: 1, 256>}, {pipeline_mode = #tpu.pipeline_mode<synchronous>, transform_indices = @transform_5, window_bounds = array<i64: 256, 1>}, {pipeline_mode = #tpu.pipeline_mode<synchronous>, transform_indices = @transform_6, window_bounds = array<i64: 1, 1>}, {transform_indices = @transform_7, window_bounds = array<i64: 1, 1, 2000>}, {pipeline_mode = #tpu.pipeline_mode<synchronous>, transform_indices = @transform_8, window_bounds = array<i64: 128, 1>}]} {
    %eq3A = arith.constant 0 : i32
    %eq3A_0 = arith.cmpi eq, %arg0, %eq3A : i32
    %convert_element_type3A = arith.extui %eq3A_0 : i1 to i32
    %cond3A = arith.constant 0 : i32
    %cond3A_1 = arith.cmpi ne, %convert_element_type3A, %cond3A : i32
    scf.if %cond3A_1 {
      %broadcast_in_dim3A_88 = arith.constant -1.000000e+09 : f32
      %broadcast_in_dim3A_89 = vector.broadcast %broadcast_in_dim3A_88 : f32 to vector<128x1xf32>
      %swap3A_90 = arith.constant 0 : index
      %swap3A_91 = arith.constant 0 : index
      %swap3A_92 = vector.load %arg10[%swap3A_90, %swap3A_91] : memref<128x1xf32, #tpu.memory_space<vmem>>, vector<128x1xf32>
      tpu.vector_store %arg10[%swap3A_90, %swap3A_91], %broadcast_in_dim3A_89 {strides = array<i32>} : memref<128x1xf32, #tpu.memory_space<vmem>>, vector<128x1xf32>,
      %get3A_93 = arith.constant 0 : index
      %get3A_94 = arith.constant 0 : index
      %get3A_95 = vector.load %arg4[%get3A_93, %get3A_94] : memref<256x256xf32, #tpu.memory_space<vmem>>, vector<256x256xf32>
      %mul3A_96 = arith.constant 5.000000e-01 : f32
      %mul3A_97 = vector.broadcast %mul3A_96 : f32 to vector<256x256xf32>
      %mul3A_98 = arith.mulf %get3A_95, %mul3A_97 : vector<256x256xf32>
      %convert_element_type3A_99 = arith.truncf %mul3A_98 : vector<256x256xf32> to vector<256x256xbf16>
      %swap3A_100 = arith.constant 0 : index
      %swap3A_101 = arith.constant 0 : index
      %swap3A_102 = vector.load %arg11[%swap3A_100, %swap3A_101] : memref<256x256xbf16, #tpu.memory_space<vmem>>, vector<256x256xbf16>
      tpu.vector_store %arg11[%swap3A_100, %swap3A_101], %convert_element_type3A_99 {strides = array<i32>} : memref<256x256xbf16, #tpu.memory_space<vmem>>, vector<256x256xbf16>,
      %get3A_103 = arith.constant 0 : index
      %get3A_104 = arith.constant 0 : index
      %get3A_105 = vector.load %arg5[%get3A_103, %get3A_104] : memref<1x256xf32, #tpu.memory_space<vmem>>, vector<1x256xf32>
      %mul3A_106 = arith.constant 5.000000e-01 : f32
      %mul3A_107 = vector.broadcast %mul3A_106 : f32 to vector<1x256xf32>
      %mul3A_108 = arith.mulf %get3A_105, %mul3A_107 : vector<1x256xf32>
      %swap3A_109 = arith.constant 0 : index
      %swap3A_110 = arith.constant 0 : index
      %swap3A_111 = vector.load %arg12[%swap3A_109, %swap3A_110] : memref<1x256xf32, #tpu.memory_space<vmem>>, vector<1x256xf32>
      tpu.vector_store %arg12[%swap3A_109, %swap3A_110], %mul3A_108 {strides = array<i32>} : memref<1x256xf32, #tpu.memory_space<vmem>>, vector<1x256xf32>,
    } else {
    }
    %get3A = arith.constant 0 : index
    %get3A_2 = arith.constant 0 : index
    %get3A_3 = arith.constant 0 : index
    %get3A_4 = vector.load %arg2[%get3A, %get3A_2, %get3A_3] : memref<1x1x2000xi32, #tpu.memory_space<vmem>>, vector<1x1x2000xi32>
    %get3A_5 = vector.shape_cast %get3A_4 : vector<1x1x2000xi32> to vector<1x2000xi32>
    %get3A_6 = arith.index_cast %arg0 : i32 to index
    %get3A_7 = arith.constant 0 : index
    %get3A_8 = memref.load %arg1[%get3A_6, %get3A_7] : memref<25x2xi32, #tpu.memory_space<smem>>
    %get3A_9 = arith.index_cast %arg0 : i32 to index
    %get3A_10 = arith.constant 1 : index
    %get3A_11 = memref.load %arg1[%get3A_9, %get3A_10] : memref<25x2xi32, #tpu.memory_space<smem>>
    %jit3A = arith.constant 8 : i32
    %div3A = arith.divsi %get3A_8, %jit3A : i32
    %sign3A = arith.constant 0 : i32
    %sign3A_12 = arith.cmpi sgt, %get3A_8, %sign3A : i32
    %sign3A_13 = arith.extui %sign3A_12 : i1 to i32
    %sign3A_14 = arith.constant 0 : i32
    %sign3A_15 = arith.cmpi slt, %get3A_8, %sign3A_14 : i32
    %sign3A_16 = arith.extui %sign3A_15 : i1 to i32
    %sign3A_17 = arith.subi %sign3A_13, %sign3A_16 : i32
    %sign3A_18 = arith.constant 0 : i32
    %sign3A_19 = arith.cmpi sgt, %jit3A, %sign3A_18 : i32
    %sign3A_20 = arith.extui %sign3A_19 : i1 to i32
    %sign3A_21 = arith.constant 0 : i32
    %sign3A_22 = arith.cmpi slt, %jit3A, %sign3A_21 : i32
    %sign3A_23 = arith.extui %sign3A_22 : i1 to i32
    %sign3A_24 = arith.subi %sign3A_20, %sign3A_23 : i32
    %ne3A = arith.cmpi ne, %sign3A_17, %sign3A_24 : i32
    %rem3A = arith.remsi %get3A_8, %jit3A : i32
    %ne3A_25 = arith.constant 0 : i32
    %ne3A_26 = arith.cmpi ne, %rem3A, %ne3A_25 : i32
    %and3A = arith.andi %ne3A, %ne3A_26 : i1
    %sub3A = arith.constant 1 : i32
    %sub3A_27 = arith.subi %div3A, %sub3A : i32
    %select_n3A = arith.select %and3A, %sub3A_27, %div3A : i32
    %mul3A = arith.constant 8 : i32
    %mul3A_28 = arith.muli %select_n3A, %mul3A : i32
    %min3A = arith.constant 96 : i32
    %min3A_29 = arith.minsi %mul3A_28, %min3A : i32
    %multiple_of3A = tpu.assume_multiple %min3A_29, 8 : i32
    %add3A = arith.constant 32 : i32
    %add3A_30 = arith.addi %multiple_of3A, %add3A : i32
    %lt3A = arith.cmpi slt, %get3A_11, %add3A_30 : i32
    %get3A_31 = arith.constant 0 : index
    %get3A_32 = arith.constant 0 : index
    %get3A_33 = vector.load %arg3[%get3A_31, %get3A_32] : memref<2000x256xf32, #tpu.memory_space<vmem>>, vector<2000x256xf32>
    %convert_element_type3A_34 = arith.truncf %get3A_33 : vector<2000x256xf32> to vector<2000x256xbf16>
    %get3A_35 = arith.constant 0 : index
    %get3A_36 = arith.constant 0 : index
    %get3A_37 = vector.load %arg11[%get3A_35, %get3A_36] : memref<256x256xbf16, #tpu.memory_space<vmem>>, vector<256x256xbf16>
    %dot_general3A = arith.constant dense<0.000000e+00> : vector<2000x256xf32>
    %dot_general3A_38 = tpu.matmul %convert_element_type3A_34, %get3A_37, %dot_general3A {dimension_numbers = #tpu.dot_dimension_numbers<[1], [0], [0], [1], [0, 0, 1, 1], [], []>, transpose_lhs_hint = false} : vector<2000x256xbf16>, vector<256x256xbf16>, vector<2000x256xf32> -> vector<2000x256xf32>
    %get3A_39 = arith.constant 0 : index
    %get3A_40 = arith.constant 0 : index
    %get3A_41 = vector.load %arg12[%get3A_39, %get3A_40] : memref<1x256xf32, #tpu.memory_space<vmem>>, vector<1x256xf32>
    %add3A_42 = vector.broadcast %get3A_41 : vector<1x256xf32> to vector<2000x256xf32>
    %add3A_43 = arith.addf %dot_general3A_38, %add3A_42 : vector<2000x256xf32>
    %tanh3A = math.tanh %add3A_43 : vector<2000x256xf32>
    %mul3A_44 = arith.mulf %add3A_43, %tanh3A : vector<2000x256xf32>
    %add3A_45 = arith.addf %add3A_43, %mul3A_44 : vector<2000x256xf32>
    %get3A_46 = arith.constant 0 : index
    %get3A_47 = arith.constant 0 : index
    %get3A_48 = vector.load %arg6[%get3A_46, %get3A_47] : memref<256x1xf32, #tpu.memory_space<vmem>>, vector<256x1xf32>
    %dot_general3A_49 = arith.constant dense<0.000000e+00> : vector<1x2000xf32>
    %dot_general3A_50 = tpu.matmul %get3A_48, %add3A_45, %dot_general3A_49 {dimension_numbers = #tpu.dot_dimension_numbers<[0], [1], [1], [0], [0, 1, 1, 0], [], []>, transpose_lhs_hint = false} : vector<256x1xf32>, vector<2000x256xf32>, vector<1x2000xf32> -> vector<1x2000xf32>
    %get3A_51 = arith.constant 0 : index
    %get3A_52 = arith.constant 0 : index
    %get3A_53 = vector.load %arg7[%get3A_51, %get3A_52] : memref<1x1xf32, #tpu.memory_space<vmem>>, vector<1x1xf32>
    %add3A_54 = vector.broadcast %get3A_53 : vector<1x1xf32> to vector<1x2000xf32>
    %add3A_55 = arith.addf %dot_general3A_50, %add3A_54 : vector<1x2000xf32>
    %jit3A_56 = arith.constant 0.000000e+00 : f32
    %jit3A_57 = arith.constant -1.000000e+01 : f32
    %jit3A_58 = arith.constant 1.000000e+01 : f32
    %ne3A_59 = arith.cmpf one, %add3A_55, %add3A_55 : vector<1x2000xf32>
    %broadcast_in_dim3A = vector.broadcast %jit3A_56 : f32 to vector<1x2000xf32>
    %select_n3A_60 = arith.select %ne3A_59, %broadcast_in_dim3A, %add3A_55 : vector<1x2000xi1>, vector<1x2000xf32>
    %eq3A_61 = arith.constant 0x7F800000 : f32
    %eq3A_62 = vector.broadcast %eq3A_61 : f32 to vector<1x2000xf32>
    %eq3A_63 = arith.cmpf oeq, %select_n3A_60, %eq3A_62 : vector<1x2000xf32>
    %broadcast_in_dim3A_64 = vector.broadcast %jit3A_58 : f32 to vector<1x2000xf32>
    %select_n3A_65 = arith.select %eq3A_63, %broadcast_in_dim3A_64, %select_n3A_60 : vector<1x2000xi1>, vector<1x2000xf32>
    %eq3A_66 = arith.constant 0xFF800000 : f32
    %eq3A_67 = vector.broadcast %eq3A_66 : f32 to vector<1x2000xf32>
    %eq3A_68 = arith.cmpf oeq, %select_n3A_65, %eq3A_67 : vector<1x2000xf32>
    %broadcast_in_dim3A_69 = vector.broadcast %jit3A_57 : f32 to vector<1x2000xf32>
    %select_n3A_70 = arith.select %eq3A_68, %broadcast_in_dim3A_69, %select_n3A_65 : vector<1x2000xi1>, vector<1x2000xf32>
    %swap3A = arith.constant 0 : index
    %swap3A_71 = arith.constant 0 : index
    %swap3A_72 = arith.constant 0 : index
    %swap3A_73 = vector.load %arg8[%swap3A, %swap3A_71, %swap3A_72] : memref<1x1x2000xf32, #tpu.memory_space<vmem>>, vector<1x1x2000xf32>
    %swap3A_74 = vector.shape_cast %swap3A_73 : vector<1x1x2000xf32> to vector<1x2000xf32>
    %swap3A_75 = vector.shape_cast %select_n3A_70 : vector<1x2000xf32> to vector<1x1x2000xf32>
    tpu.vector_store %arg8[%swap3A, %swap3A_71, %swap3A_72], %swap3A_75 {strides = array<i32>} : memref<1x1x2000xf32, #tpu.memory_space<vmem>>, vector<1x1x2000xf32>,
    %convert_element_type3A_76 = arith.extui %lt3A : i1 to i32
    %cond3A_77 = arith.constant 0 : i32
    %cond3A_78 = arith.cmpi ne, %convert_element_type3A_76, %cond3A_77 : i32
    scf.if %cond3A_78 {
      %iota3A = tpu.iota {dimensions = array<i32: 0>} : vector<32x2000xi32>
      %add3A_88 = vector.broadcast %multiple_of3A : i32 to vector<32x2000xi32>
      %add3A_89 = arith.addi %add3A_88, %iota3A : vector<32x2000xi32>
      %eq3A_90 = vector.broadcast %get3A_5 : vector<1x2000xi32> to vector<32x2000xi32>
      %eq3A_91 = arith.cmpi eq, %eq3A_90, %add3A_89 : vector<32x2000xi32>
      %jit3A_92 = arith.constant -1.000000e+09 : f32
      %broadcast_in_dim3A_93 = vector.shape_cast %select_n3A_70 : vector<1x2000xf32> to vector<1x2000xf32>
      %broadcast_in_dim3A_94 = vector.broadcast %broadcast_in_dim3A_93 : vector<1x2000xf32> to vector<32x2000xf32>
      %broadcast_in_dim3A_95 = vector.broadcast %jit3A_92 : f32 to vector<32x2000xf32>
      %select_n3A_96 = arith.select %eq3A_91, %broadcast_in_dim3A_94, %broadcast_in_dim3A_95 : vector<32x2000xi1>, vector<32x2000xf32>
      %reduce_max3A = arith.constant dense<0xFF800000> : vector<32xf32>
      %reduce_max3A_97 = vector.multi_reduction <maximumf>, %select_n3A_96, %reduce_max3A [1] : vector<32x2000xf32> to vector<32xf32>
      %broadcast_in_dim3A_98 = vector.shape_cast %reduce_max3A_97 : vector<32xf32> to vector<32x1xf32>
      %get3A_99 = arith.index_cast %multiple_of3A : i32 to index
      %get3A_100 = arith.constant 0 : index
      %get3A_101 = vector.load %arg10[%get3A_99, %get3A_100] : memref<128x1xf32, #tpu.memory_space<vmem>>, vector<32x1xf32>
      %max3A = arith.maximumf %get3A_101, %broadcast_in_dim3A_98 : vector<32x1xf32>
      %swap3A_102 = arith.index_cast %multiple_of3A : i32 to index
      %swap3A_103 = arith.constant 0 : index
      %swap3A_104 = vector.load %arg10[%swap3A_102, %swap3A_103] : memref<128x1xf32, #tpu.memory_space<vmem>>, vector<32x1xf32>
      tpu.vector_store %arg10[%swap3A_102, %swap3A_103], %max3A {strides = array<i32>} : memref<128x1xf32, #tpu.memory_space<vmem>>, vector<32x1xf32>,
    } else {
    }
    %not3A = arith.constant true
    %not3A_79 = arith.xori %lt3A, %not3A : i1
    %convert_element_type3A_80 = arith.extui %not3A_79 : i1 to i32
    %cond3A_81 = arith.constant 0 : i32
    %cond3A_82 = arith.cmpi ne, %convert_element_type3A_80, %cond3A_81 : i32
    scf.if %cond3A_82 {
      %iota3A = tpu.iota {dimensions = array<i32: 0>} : vector<128x2000xi32>
      %add3A_88 = arith.constant 0 : i32
      %add3A_89 = vector.broadcast %add3A_88 : i32 to vector<128x2000xi32>
      %add3A_90 = arith.addi %add3A_89, %iota3A : vector<128x2000xi32>
      %eq3A_91 = vector.broadcast %get3A_5 : vector<1x2000xi32> to vector<128x2000xi32>
      %eq3A_92 = arith.cmpi eq, %eq3A_91, %add3A_90 : vector<128x2000xi32>
      %jit3A_93 = arith.constant -1.000000e+09 : f32
      %broadcast_in_dim3A_94 = vector.shape_cast %select_n3A_70 : vector<1x2000xf32> to vector<1x2000xf32>
      %broadcast_in_dim3A_95 = vector.broadcast %broadcast_in_dim3A_94 : vector<1x2000xf32> to vector<128x2000xf32>
      %broadcast_in_dim3A_96 = vector.broadcast %jit3A_93 : f32 to vector<128x2000xf32>
      %select_n3A_97 = arith.select %eq3A_92, %broadcast_in_dim3A_95, %broadcast_in_dim3A_96 : vector<128x2000xi1>, vector<128x2000xf32>
      %reduce_max3A = arith.constant dense<0xFF800000> : vector<128xf32>
      %reduce_max3A_98 = vector.multi_reduction <maximumf>, %select_n3A_97, %reduce_max3A [1] : vector<128x2000xf32> to vector<128xf32>
      %broadcast_in_dim3A_99 = vector.shape_cast %reduce_max3A_98 : vector<128xf32> to vector<128x1xf32>
      %get3A_100 = arith.constant 0 : index
      %get3A_101 = arith.constant 0 : index
      %get3A_102 = vector.load %arg10[%get3A_100, %get3A_101] : memref<128x1xf32, #tpu.memory_space<vmem>>, vector<128x1xf32>
      %max3A = arith.maximumf %get3A_102, %broadcast_in_dim3A_99 : vector<128x1xf32>
      %swap3A_103 = arith.constant 0 : index
      %swap3A_104 = arith.constant 0 : index
      %swap3A_105 = vector.load %arg10[%swap3A_103, %swap3A_104] : memref<128x1xf32, #tpu.memory_space<vmem>>, vector<128x1xf32>
      tpu.vector_store %arg10[%swap3A_103, %swap3A_104], %max3A {strides = array<i32>} : memref<128x1xf32, #tpu.memory_space<vmem>>, vector<128x1xf32>,
    } else {
    }
    %eq3A_83 = arith.constant 24 : i32
    %eq3A_84 = arith.cmpi eq, %arg0, %eq3A_83 : i32
    %convert_element_type3A_85 = arith.extui %eq3A_84 : i1 to i32
    %cond3A_86 = arith.constant 0 : i32
    %cond3A_87 = arith.cmpi ne, %convert_element_type3A_85, %cond3A_86 : i32
    scf.if %cond3A_87 {
      %get3A_88 = arith.constant 0 : index
      %get3A_89 = arith.constant 0 : index
      %get3A_90 = vector.load %arg10[%get3A_88, %get3A_89] : memref<128x1xf32, #tpu.memory_space<vmem>>, vector<128x1xf32>
      %swap3A_91 = arith.constant 0 : index
      %swap3A_92 = arith.constant 0 : index
      %swap3A_93 = vector.load %arg9[%swap3A_91, %swap3A_92] : memref<128x1xf32, #tpu.memory_space<vmem>>, vector<128x1xf32>
      tpu.vector_store %arg9[%swap3A_91, %swap3A_92], %get3A_90 {strides = array<i32>} : memref<128x1xf32, #tpu.memory_space<vmem>>, vector<128x1xf32>,
    } else {
    }
    return
  }
  func.func @transform_0(%arg0: i32) -> (i32, i32) {
    %c0_i32 = arith.constant 0 : i32
    %c0_i32_0 = arith.constant 0 : i32
    %c0_i32_1 = arith.constant 0 : i32
    return %c0_i32, %c0_i32_0 : i32, i32
  }
  func.func @transform_1(%arg0: i32) -> (i32, i32, i32) {
    %c0_i32 = arith.constant 0 : i32
    %c0_i32_0 = arith.constant 0 : i32
    %c0_i32_1 = arith.constant 0 : i32
    return %arg0, %c0_i32, %c0_i32_0 : i32, i32, i32
  }
  func.func @transform_2(%arg0: i32) -> (i32, i32) {
    %c0_i32 = arith.constant 0 : i32
    %c0_i32_0 = arith.constant 0 : i32
    return %arg0, %c0_i32 : i32, i32
  }
  func.func @transform_3(%arg0: i32) -> (i32, i32) {
    %c0_i32 = arith.constant 0 : i32
    %c0_i32_0 = arith.constant 0 : i32
    %c0_i32_1 = arith.constant 0 : i32
    return %c0_i32, %c0_i32_0 : i32, i32
  }
  func.func @transform_4(%arg0: i32) -> (i32, i32) {
    %c0_i32 = arith.constant 0 : i32
    %c0_i32_0 = arith.constant 0 : i32
    %c0_i32_1 = arith.constant 0 : i32
    return %c0_i32, %c0_i32_0 : i32, i32
  }
  func.func @transform_5(%arg0: i32) -> (i32, i32) {
    %c0_i32 = arith.constant 0 : i32
    %c0_i32_0 = arith.constant 0 : i32
    %c0_i32_1 = arith.constant 0 : i32
    return %c0_i32, %c0_i32_0 : i32, i32
  }
  func.func @transform_6(%arg0: i32) -> (i32, i32) {
    %c0_i32 = arith.constant 0 : i32
    %c0_i32_0 = arith.constant 0 : i32
    %c0_i32_1 = arith.constant 0 : i32
    return %c0_i32, %c0_i32_0 : i32, i32
  }
  func.func @transform_7(%arg0: i32) -> (i32, i32, i32) {
    %c0_i32 = arith.constant 0 : i32
    %c0_i32_0 = arith.constant 0 : i32
    %c0_i32_1 = arith.constant 0 : i32
    return %arg0, %c0_i32, %c0_i32_0 : i32, i32, i32
  }
  func.func @transform_8(%arg0: i32) -> (i32, i32) {
    %c0_i32 = arith.constant 0 : i32
    %c0_i32_0 = arith.constant 0 : i32
    %c0_i32_1 = arith.constant 0 : i32
    return %c0_i32, %c0_i32_0 : i32, i32
  }
}

module attributes {stable_mosaic.version = 14 : i64} {
  func.func @_pool_kernel(%arg0: i32, %arg1: memref<25x2xi32, #tpu.memory_space<smem>>, %arg2: memref<1x1x2000xi32, #tpu.memory_space<vmem>>, %arg3: memref<2000x256xf32, #tpu.memory_space<vmem>>, %arg4: memref<1x1x2000xf32, #tpu.memory_space<vmem>>, %arg5: memref<32x128xf32, #tpu.memory_space<vmem>>, %arg6: memref<128x256xf32, #tpu.memory_space<vmem>>, %arg7: memref<128x256xf32, #tpu.memory_space<vmem>>) attributes {dimension_semantics = [#tpu.dimension_semantics<arbitrary>], iteration_bounds = array<i64: 25>, scalar_prefetch = 0 : i64, scratch_operands = 1 : i64, tpu.core_type = #tpu.core_type<tc>, window_params = [{transform_indices = @transform_0, window_bounds = array<i64: 25, 2>}, {transform_indices = @transform_1, window_bounds = array<i64: 1, 1, 2000>}, {transform_indices = @transform_2, window_bounds = array<i64: 2000, 256>}, {transform_indices = @transform_3, window_bounds = array<i64: 1, 1, 2000>}, {pipeline_mode = #tpu.pipeline_mode<synchronous>, transform_indices = @transform_4, window_bounds = array<i64: 32, 128>}, {pipeline_mode = #tpu.pipeline_mode<synchronous>, transform_indices = @transform_5, window_bounds = array<i64: 128, 256>}]} {
    %eq3A = arith.constant 0 : i32
    %eq3A_0 = arith.cmpi eq, %arg0, %eq3A : i32
    %convert_element_type3A = arith.extui %eq3A_0 : i1 to i32
    %cond3A = arith.constant 0 : i32
    %cond3A_1 = arith.cmpi ne, %convert_element_type3A, %cond3A : i32
    scf.if %cond3A_1 {
      %broadcast_in_dim3A = arith.constant 0.000000e+00 : f32
      %broadcast_in_dim3A_52 = vector.broadcast %broadcast_in_dim3A : f32 to vector<128x256xf32>
      %swap3A = arith.constant 0 : index
      %swap3A_53 = arith.constant 0 : index
      %swap3A_54 = vector.load %arg7[%swap3A, %swap3A_53] : memref<128x256xf32, #tpu.memory_space<vmem>>, vector<128x256xf32>
      tpu.vector_store %arg7[%swap3A, %swap3A_53], %broadcast_in_dim3A_52 {strides = array<i32>} : memref<128x256xf32, #tpu.memory_space<vmem>>, vector<128x256xf32>,
    } else {
    }
    %get3A = arith.constant 0 : index
    %get3A_2 = arith.constant 0 : index
    %get3A_3 = arith.constant 0 : index
    %get3A_4 = vector.load %arg2[%get3A, %get3A_2, %get3A_3] : memref<1x1x2000xi32, #tpu.memory_space<vmem>>, vector<1x1x2000xi32>
    %get3A_5 = vector.shape_cast %get3A_4 : vector<1x1x2000xi32> to vector<1x2000xi32>
    %get3A_6 = arith.constant 0 : index
    %get3A_7 = arith.constant 0 : index
    %get3A_8 = arith.constant 0 : index
    %get3A_9 = vector.load %arg4[%get3A_6, %get3A_7, %get3A_8] : memref<1x1x2000xf32, #tpu.memory_space<vmem>>, vector<1x1x2000xf32>
    %get3A_10 = vector.shape_cast %get3A_9 : vector<1x1x2000xf32> to vector<1x2000xf32>
    %get3A_11 = arith.index_cast %arg0 : i32 to index
    %get3A_12 = arith.constant 0 : index
    %get3A_13 = memref.load %arg1[%get3A_11, %get3A_12] : memref<25x2xi32, #tpu.memory_space<smem>>
    %get3A_14 = arith.index_cast %arg0 : i32 to index
    %get3A_15 = arith.constant 1 : index
    %get3A_16 = memref.load %arg1[%get3A_14, %get3A_15] : memref<25x2xi32, #tpu.memory_space<smem>>
    %jit3A = arith.constant 8 : i32
    %div3A = arith.divsi %get3A_13, %jit3A : i32
    %sign3A = arith.constant 0 : i32
    %sign3A_17 = arith.cmpi sgt, %get3A_13, %sign3A : i32
    %sign3A_18 = arith.extui %sign3A_17 : i1 to i32
    %sign3A_19 = arith.constant 0 : i32
    %sign3A_20 = arith.cmpi slt, %get3A_13, %sign3A_19 : i32
    %sign3A_21 = arith.extui %sign3A_20 : i1 to i32
    %sign3A_22 = arith.subi %sign3A_18, %sign3A_21 : i32
    %sign3A_23 = arith.constant 0 : i32
    %sign3A_24 = arith.cmpi sgt, %jit3A, %sign3A_23 : i32
    %sign3A_25 = arith.extui %sign3A_24 : i1 to i32
    %sign3A_26 = arith.constant 0 : i32
    %sign3A_27 = arith.cmpi slt, %jit3A, %sign3A_26 : i32
    %sign3A_28 = arith.extui %sign3A_27 : i1 to i32
    %sign3A_29 = arith.subi %sign3A_25, %sign3A_28 : i32
    %ne3A = arith.cmpi ne, %sign3A_22, %sign3A_29 : i32
    %rem3A = arith.remsi %get3A_13, %jit3A : i32
    %ne3A_30 = arith.constant 0 : i32
    %ne3A_31 = arith.cmpi ne, %rem3A, %ne3A_30 : i32
    %and3A = arith.andi %ne3A, %ne3A_31 : i1
    %sub3A = arith.constant 1 : i32
    %sub3A_32 = arith.subi %div3A, %sub3A : i32
    %select_n3A = arith.select %and3A, %sub3A_32, %div3A : i32
    %mul3A = arith.constant 8 : i32
    %mul3A_33 = arith.muli %select_n3A, %mul3A : i32
    %min3A = arith.constant 96 : i32
    %min3A_34 = arith.minsi %mul3A_33, %min3A : i32
    %multiple_of3A = tpu.assume_multiple %min3A_34, 8 : i32
    %add3A = arith.constant 32 : i32
    %add3A_35 = arith.addi %multiple_of3A, %add3A : i32
    %lt3A = arith.cmpi slt, %get3A_16, %add3A_35 : i32
    %get3A_36 = arith.constant 0 : index
    %get3A_37 = arith.constant 0 : index
    %get3A_38 = vector.load %arg3[%get3A_36, %get3A_37] : memref<2000x256xf32, #tpu.memory_space<vmem>>, vector<2000x256xf32>
    %convert_element_type3A_39 = arith.truncf %get3A_38 : vector<2000x256xf32> to vector<2000x256xbf16>
    %convert_element_type3A_40 = arith.extui %lt3A : i1 to i32
    %cond3A_41 = arith.constant 0 : i32
    %cond3A_42 = arith.cmpi ne, %convert_element_type3A_40, %cond3A_41 : i32
    scf.if %cond3A_42 {
      %iota3A = tpu.iota {dimensions = array<i32: 0>} : vector<32x2000xi32>
      %add3A_52 = vector.broadcast %multiple_of3A : i32 to vector<32x2000xi32>
      %add3A_53 = arith.addi %add3A_52, %iota3A : vector<32x2000xi32>
      %eq3A_54 = vector.broadcast %get3A_5 : vector<1x2000xi32> to vector<32x2000xi32>
      %eq3A_55 = arith.cmpi eq, %eq3A_54, %add3A_53 : vector<32x2000xi32>
      %jit3A_56 = arith.constant 0.000000e+00 : f32
      %broadcast_in_dim3A = vector.shape_cast %get3A_10 : vector<1x2000xf32> to vector<1x2000xf32>
      %broadcast_in_dim3A_57 = vector.broadcast %broadcast_in_dim3A : vector<1x2000xf32> to vector<32x2000xf32>
      %broadcast_in_dim3A_58 = vector.broadcast %jit3A_56 : f32 to vector<32x2000xf32>
      %select_n3A_59 = arith.select %eq3A_55, %broadcast_in_dim3A_57, %broadcast_in_dim3A_58 : vector<32x2000xi1>, vector<32x2000xf32>
      %get3A_60 = arith.index_cast %multiple_of3A : i32 to index
      %get3A_61 = arith.constant 0 : index
      %get3A_62 = vector.load %arg7[%get3A_60, %get3A_61] : memref<128x256xf32, #tpu.memory_space<vmem>>, vector<32x256xf32>
      %convert_element_type3A_63 = arith.truncf %select_n3A_59 : vector<32x2000xf32> to vector<32x2000xbf16>
      %dot_general3A = arith.constant dense<0.000000e+00> : vector<32x256xf32>
      %dot_general3A_64 = tpu.matmul %convert_element_type3A_63, %convert_element_type3A_39, %dot_general3A {dimension_numbers = #tpu.dot_dimension_numbers<[1], [0], [0], [1], [0, 0, 1, 1], [], []>, transpose_lhs_hint = false} : vector<32x2000xbf16>, vector<2000x256xbf16>, vector<32x256xf32> -> vector<32x256xf32>
      %add3A_65 = arith.addf %get3A_62, %dot_general3A_64 : vector<32x256xf32>
      %swap3A = arith.index_cast %multiple_of3A : i32 to index
      %swap3A_66 = arith.constant 0 : index
      %swap3A_67 = vector.load %arg7[%swap3A, %swap3A_66] : memref<128x256xf32, #tpu.memory_space<vmem>>, vector<32x256xf32>
      tpu.vector_store %arg7[%swap3A, %swap3A_66], %add3A_65 {strides = array<i32>} : memref<128x256xf32, #tpu.memory_space<vmem>>, vector<32x256xf32>,
    } else {
    }
    %not3A = arith.constant true
    %not3A_43 = arith.xori %lt3A, %not3A : i1
    %convert_element_type3A_44 = arith.extui %not3A_43 : i1 to i32
    %cond3A_45 = arith.constant 0 : i32
    %cond3A_46 = arith.cmpi ne, %convert_element_type3A_44, %cond3A_45 : i32
    scf.if %cond3A_46 {
      %iota3A = tpu.iota {dimensions = array<i32: 0>} : vector<128x2000xi32>
      %add3A_52 = arith.constant 0 : i32
      %add3A_53 = vector.broadcast %add3A_52 : i32 to vector<128x2000xi32>
      %add3A_54 = arith.addi %add3A_53, %iota3A : vector<128x2000xi32>
      %eq3A_55 = vector.broadcast %get3A_5 : vector<1x2000xi32> to vector<128x2000xi32>
      %eq3A_56 = arith.cmpi eq, %eq3A_55, %add3A_54 : vector<128x2000xi32>
      %jit3A_57 = arith.constant 0.000000e+00 : f32
      %broadcast_in_dim3A = vector.shape_cast %get3A_10 : vector<1x2000xf32> to vector<1x2000xf32>
      %broadcast_in_dim3A_58 = vector.broadcast %broadcast_in_dim3A : vector<1x2000xf32> to vector<128x2000xf32>
      %broadcast_in_dim3A_59 = vector.broadcast %jit3A_57 : f32 to vector<128x2000xf32>
      %select_n3A_60 = arith.select %eq3A_56, %broadcast_in_dim3A_58, %broadcast_in_dim3A_59 : vector<128x2000xi1>, vector<128x2000xf32>
      %get3A_61 = arith.constant 0 : index
      %get3A_62 = arith.constant 0 : index
      %get3A_63 = vector.load %arg7[%get3A_61, %get3A_62] : memref<128x256xf32, #tpu.memory_space<vmem>>, vector<128x256xf32>
      %convert_element_type3A_64 = arith.truncf %select_n3A_60 : vector<128x2000xf32> to vector<128x2000xbf16>
      %dot_general3A = arith.constant dense<0.000000e+00> : vector<128x256xf32>
      %dot_general3A_65 = tpu.matmul %convert_element_type3A_64, %convert_element_type3A_39, %dot_general3A {dimension_numbers = #tpu.dot_dimension_numbers<[1], [0], [0], [1], [0, 0, 1, 1], [], []>, transpose_lhs_hint = false} : vector<128x2000xbf16>, vector<2000x256xbf16>, vector<128x256xf32> -> vector<128x256xf32>
      %add3A_66 = arith.addf %get3A_63, %dot_general3A_65 : vector<128x256xf32>
      %swap3A = arith.constant 0 : index
      %swap3A_67 = arith.constant 0 : index
      %swap3A_68 = vector.load %arg7[%swap3A, %swap3A_67] : memref<128x256xf32, #tpu.memory_space<vmem>>, vector<128x256xf32>
      tpu.vector_store %arg7[%swap3A, %swap3A_67], %add3A_66 {strides = array<i32>} : memref<128x256xf32, #tpu.memory_space<vmem>>, vector<128x256xf32>,
    } else {
    }
    %eq3A_47 = arith.constant 24 : i32
    %eq3A_48 = arith.cmpi eq, %arg0, %eq3A_47 : i32
    %convert_element_type3A_49 = arith.extui %eq3A_48 : i1 to i32
    %cond3A_50 = arith.constant 0 : i32
    %cond3A_51 = arith.cmpi ne, %convert_element_type3A_49, %cond3A_50 : i32
    scf.if %cond3A_51 {
      %broadcast_in_dim3A = arith.constant 1.000000e+00 : f32
      %broadcast_in_dim3A_52 = vector.broadcast %broadcast_in_dim3A : f32 to vector<32x1xf32>
      %get3A_53 = arith.constant 0 : index
      %get3A_54 = arith.constant 0 : index
      %get3A_55 = vector.load %arg5[%get3A_53, %get3A_54] : memref<32x128xf32, #tpu.memory_space<vmem>>, vector<32x128xf32>
      %dot_general3A = arith.constant dense<0.000000e+00> : vector<128x1xf32>
      %dot_general3A_56 = tpu.matmul %get3A_55, %broadcast_in_dim3A_52, %dot_general3A {dimension_numbers = #tpu.dot_dimension_numbers<[0], [0], [1], [1], [0, 1, 1, 1], [], []>, transpose_lhs_hint = false} : vector<32x128xf32>, vector<32x1xf32>, vector<128x1xf32> -> vector<128x1xf32>
      %get3A_57 = arith.constant 0 : index
      %get3A_58 = arith.constant 0 : index
      %get3A_59 = vector.load %arg7[%get3A_57, %get3A_58] : memref<128x256xf32, #tpu.memory_space<vmem>>, vector<128x256xf32>
      %add3A_60 = arith.constant 9.99999997E-7 : f32
      %add3A_61 = vector.broadcast %add3A_60 : f32 to vector<128x1xf32>
      %add3A_62 = arith.addf %dot_general3A_56, %add3A_61 : vector<128x1xf32>
      %div3A_63 = vector.broadcast %add3A_62 : vector<128x1xf32> to vector<128x256xf32>
      %div3A_64 = arith.divf %get3A_59, %div3A_63 : vector<128x256xf32>
      %swap3A = arith.constant 0 : index
      %swap3A_65 = arith.constant 0 : index
      %swap3A_66 = vector.load %arg6[%swap3A, %swap3A_65] : memref<128x256xf32, #tpu.memory_space<vmem>>, vector<128x256xf32>
      tpu.vector_store %arg6[%swap3A, %swap3A_65], %div3A_64 {strides = array<i32>} : memref<128x256xf32, #tpu.memory_space<vmem>>, vector<128x256xf32>,
    } else {
    }
    return
  }
  func.func @transform_0(%arg0: i32) -> (i32, i32) {
    %c0_i32 = arith.constant 0 : i32
    %c0_i32_0 = arith.constant 0 : i32
    %c0_i32_1 = arith.constant 0 : i32
    return %c0_i32, %c0_i32_0 : i32, i32
  }
  func.func @transform_1(%arg0: i32) -> (i32, i32, i32) {
    %c0_i32 = arith.constant 0 : i32
    %c0_i32_0 = arith.constant 0 : i32
    %c0_i32_1 = arith.constant 0 : i32
    return %arg0, %c0_i32, %c0_i32_0 : i32, i32, i32
  }
  func.func @transform_2(%arg0: i32) -> (i32, i32) {
    %c0_i32 = arith.constant 0 : i32
    %c0_i32_0 = arith.constant 0 : i32
    return %arg0, %c0_i32 : i32, i32
  }
  func.func @transform_3(%arg0: i32) -> (i32, i32, i32) {
    %c0_i32 = arith.constant 0 : i32
    %c0_i32_0 = arith.constant 0 : i32
    %c0_i32_1 = arith.constant 0 : i32
    return %arg0, %c0_i32, %c0_i32_0 : i32, i32, i32
  }
  func.func @transform_4(%arg0: i32) -> (i32, i32) {
    %c0_i32 = arith.constant 0 : i32
    %c0_i32_0 = arith.constant 0 : i32
    %c0_i32_1 = arith.constant 0 : i32
    return %c0_i32, %c0_i32_0 : i32, i32
  }
  func.func @transform_5(%arg0: i32) -> (i32, i32) {
    %c0_i32 = arith.constant 0 : i32
    %c0_i32_0 = arith.constant 0 : i32
    %c0_i32_1 = arith.constant 0 : i32
    return %c0_i32, %c0_i32_0 : i32, i32
  }
}

</mosaic_0001>

<sc_bundles>
// kernel: _attention_pool.5.cloned.1.call-start
scs
__scs_entry_jumppad:
0x0: {  	(pc) =	sbr.rel $0x88, $3  }
0x1: {  	(tag) =	ssettag $0x0;
	lr =	simm.s32 $0x1  }
0x2: {  	[smem:$0x3F9B] =	sst lr;
	_ =	strace $0xD0000000  }
0x3: {  	_ = 	snop  }
0x4: {  	_ = 	snop  }
0x5: {  	_ = 	snop  }
0x6: {  	_ = 	snop  }
0x7: {  	_ = 	snop  }
__scs_overlays_trampoline_lowered:
0x8: {  	[smem:$0x3FAA] =	sst s0  }
0x9: {  	[smem:$0x3FAB] =	sst s1  }
0xa: {  	[smem:$0x3FAC] =	sst s2  }
0xb: {  	[smem:$0x3FAD] =	sst s3  }
0xc: {  	[smem:$0x3FAE] =	sst s4  }
0xd: {  	[smem:$0x3FAF] =	sst s5  }
0xe: {  	[smem:$0x3FB0] =	sst s6  }
0xf: {  	[smem:$0x3FB1] =	sst s7  }
0x10: {  	[smem:$0x3FB2] =	sst s8  }
0x11: {  	[smem:$0x3FB3] =	sst s9;
	s0 =	simm.s32 @!p0 $0x0  }
0x12: {  	s1 =	sld [smem:$0x3F99];
	s0 =	simm.s32 @p0 $0x1  }
0x13: {  	[smem:$0x3FB4] =	sst s0;
	s0 =	simm.s32 @!p1 $0x0  }
0x14: {  	s2 =	sld [smem:$0x3F98];
	s0 =	simm.s32 @p1 $0x1  }
0x15: {  	[smem:$0x3FB5] =	sst s0;
	s0 =	simm.s32 @!p2 $0x0  }
0x16: {  	s3 =	sld [smem:$0x3FDB];
	s0 =	simm.s32 @p2 $0x1  }
0x17: {  	s4 =	simm.s32 $0x1BF5;
	[smem:$0x3FB7] =	sst s0  }
0x18: {  	s0 =	sld [smem:$0x3F9A];
	_ =	swait.ge [sflag:s4], $0x0  }
0x19: {  	s7 =	sld [smem:$0x3F9B]  }
0x1a: {  	s8 =	sadd.s32 $0xFFFFE003, lr  }
0x1b: {  	s9 =	sadd.s32 $0xFFFFFEF7, lr;
	s5 =	simm.s32 $0xFFFFFFFF;
	p2 =	slt.u32 s8, $0xFFFFF086  }
0x1c: {  	p1 =	slt.u32 s9, $0xF7A;
	s5 =	simm.s32 @!p2 $0x0  }
0x1d: {  	s5 =	simm.s32 @p1 $0x1;
	p0 =	seq.s32 s7, s2  }
0x1e: {  	s7 =	smul.u32 @!p0 $0xF7A, s2;
	p2 =	seq.s32 @!p0 s5, $0x0  }
0x1f: {  	s9 =	smul.u32 $0xF7A, s1;
	s8 =	simm.s32 @!p0 $0x1BF5;
	p2 =	por !p2, p0  }
0x20: {  	[sflag:s8] =	ssyncset.s32 @!p0 $0xFFFFF086;
	s6 =	sadd.s32 @!p0 s3, s7;
	s7 =	simm.s32 @!p0 $0x108  }
0x21: {  	s3 =	sadd.s32 s3, s9;
	s6 =	sadd.s32 @!p0 $0x88, s6;
	s7 =	simm.s32 @p2 $0x1082  }
0x22: {  	[simem:s7], [sflag:s8] =	dma.local @!p0 [hbm:s6], $0xF7A  }
0x23: {  	s9 =	sor.u32 $0xD0000000, s2;
	s6 =	simm.s32 $0x108;
	_ =	swait.ge @!p0 [sflag:s8], $0x0  }
0x24: {  	s3 =	sadd.s32 $0x88, s3;
	s6 =	simm.s32 @!p1 $0x1082;
	[sflag:s4] =	ssyncset.s32 $0xFFFFF086  }
0x25: {  	[simem:s6], [sflag:s4] =	dma.local [hbm:s3], $0xF7A  }
0x26: {  	[smem:$0x3F9B] =	sst s1;
	(tag) =	ssettag s2;
	_ =	strace s9  }
0x27: {  	s1 =	sld [smem:$0x3FAB]  }
0x28: {  	s2 =	sld [smem:$0x3FAC]  }
0x29: {  	s4 =	sld [smem:$0x3FAE]  }
0x2a: {  	p0 =	seq.s32 s5, $0x0;
	s5 =	sld [smem:$0x3FAF]  }
0x2b: {  	s6 =	sld [smem:$0x3FB0]  }
0x2c: {  	s7 =	sld [smem:$0x3FB1]  }
0x2d: {  	s3 =	simm.s32 $0x108;
	s8 =	sld [smem:$0x3FB2]  }
0x2e: {  	s3 =	simm.s32 @!p0 $0x1082;
	s9 =	sld [smem:$0x3FB3]  }
0x2f: {  	lr =	sadd.s32 s0, s3;
	s0 =	sld [smem:$0x3FAA]  }
0x30: {  	s3 =	sld [smem:$0x3FAD]  }
0x31: {  	[smem:$0x3FB6] =	sst s10  }
0x32: {  	s10 =	sld [smem:$0x3FB4];
	_ =	sdelay $0x3  }
0x33: {  	p0 =	seq.s32 s10, $0x1;
	s10 =	sld [smem:$0x3FB6];
	_ =	sdelay $0x3  }
0x34: {  	[smem:$0x3FB6] =	sst s10  }
0x35: {  	s10 =	sld [smem:$0x3FB5];
	_ =	sdelay $0x3  }
0x36: {  	p1 =	seq.s32 s10, $0x1;
	s10 =	sld [smem:$0x3FB6];
	_ =	sdelay $0x3  }
0x37: {  	[smem:$0x3FB6] =	sst s10  }
0x38: {  	s10 =	sld [smem:$0x3FB7]  }
0x39: {  	_ = 	snop;
	(pc) =	sbr.ind lr, $3  }
0x3a: {  	_ = 	snop  }
0x3b: {  	_ = 	snop  }
0x3c: {  	p2 =	seq.s32 s10, $0x1;
	s10 =	sld [smem:$0x3FB6]  }
0x3d: {  	_ =	shalt  }
0x3e: {  	_ =	shalt  }
0x3f: {  	_ =	shalt  }
0x40: {  	_ =	shalt  }
0x41: {  	_ =	shalt  }
0x42: {  	_ =	shalt  }
0x43: {  	_ =	shalt  }
0x44: {  	_ =	shalt  }
0x45: {  	_ =	shalt  }
0x46: {  	_ =	shalt  }
0x47: {  	_ =	shalt  }
0x48: {  	_ =	shalt  }
0x49: {  	_ =	shalt  }
0x4a: {  	_ =	shalt  }
0x4b: {  	_ =	shalt  }
0x4c: {  	_ =	shalt  }
0x4d: {  	_ =	shalt  }
0x4e: {  	_ =	shalt  }
0x4f: {  	_ =	shalt  }
0x50: {  	_ =	shalt  }
0x51: {  	_ =	shalt  }
0x52: {  	_ =	shalt  }
0x53: {  	_ =	shalt  }
0x54: {  	_ =	shalt  }
0x55: {  	_ =	shalt  }
0x56: {  	_ =	shalt  }
0x57: {  	_ =	shalt  }
0x58: {  	_ =	shalt  }
0x59: {  	_ =	shalt  }
0x5a: {  	_ =	shalt  }
0x5b: {  	_ =	shalt  }
0x5c: {  	_ =	shalt  }
0x5d: {  	_ =	shalt  }
0x5e: {  	_ =	shalt  }
0x5f: {  	_ =	shalt  }
0x60: {  	_ =	shalt  }
0x61: {  	_ =	shalt  }
0x62: {  	_ =	shalt  }
0x63: {  	_ =	shalt  }
0x64: {  	_ =	shalt  }
0x65: {  	_ =	shalt  }
0x66: {  	_ =	shalt  }
0x67: {  	_ =	shalt  }
0x68: {  	_ =	shalt  }
0x69: {  	_ =	shalt  }
0x6a: {  	_ =	shalt  }
0x6b: {  	_ =	shalt  }
0x6c: {  	_ =	shalt  }
0x6d: {  	_ =	shalt  }
0x6e: {  	_ =	shalt  }
0x6f: {  	_ =	shalt  }
0x70: {  	_ =	shalt  }
0x71: {  	_ =	shalt  }
0x72: {  	_ =	shalt  }
0x73: {  	_ =	shalt  }
0x74: {  	_ =	shalt  }
0x75: {  	_ =	shalt  }
0x76: {  	_ =	shalt  }
0x77: {  	_ =	shalt  }
0x78: {  	_ =	shalt  }
0x79: {  	_ =	shalt  }
0x7a: {  	_ =	shalt  }
0x7b: {  	_ =	shalt  }
0x7c: {  	_ =	shalt  }
0x7d: {  	_ =	shalt  }
0x7e: {  	_ =	shalt  }
0x7f: {  	_ =	shalt  }
0x80: {  	_ =	shalt  }
0x81: {  	_ =	shalt  }
0x82: {  	_ =	shalt  }
0x83: {  	_ =	shalt  }
0x84: {  	_ =	shalt  }
0x85: {  	_ =	shalt  }
0x86: {  	_ =	shalt  }
0x87: {  	_ =	shalt  }
.Lfunc_end0:
.L_simem_size_0:
called_computation_lowered:
.L_overlay_start_0:
0x88: {  	s2 =	sld [smem:$0x3FD9]  }
0x89: {  	s3 =	sld [smem:$0x3FFE];
	_ =	sdelay $0x1  }
0x8a: {  	s1 =	srdreg.scid  }
0x8b: {  	s0 =	sand.u32 $0x1, s1  }
0x8c: {  	s17 =	sshll.u32 s0, $0xA;
	s2 =	sadd.s32 s3, s2  }
0x8d: {  	s2 =	sadd.s32 s2, s17  }
0x8e: {  	[smem:$0x3FC2] =	sst s2  }
0x8f: {  	_ = 	snop  }
0x90: {  	s2 =	sld [smem:$0x3FC8]  }
0x91: {  	s18 =	sld [smem:$0x3FD0];
	(tm) =	ssettm $0x1  }
0x92: {  	s4 =	sld [smem:$0x3FFB];
	_ =	sdelay $0x3  }
0x93: {  	_ =	strace s4  }
0x94: {  	s4 =	sld [smem:$0x3FFC];
	_ =	sdelay $0x3  }
0x95: {  	_ =	strace s4  }
0x96: {  	s4 =	sld [smem:$0x3FFD];
	_ =	sdelay $0x3  }
0x97: {  	_ =	strace s4  }
0x98: {  	_ =	strace $0x8FFFFFFF  }
0x99: {  	s19 =	sld [smem:$0x3FDB];
	_ =	sdelay $0x1  }
0x9a: {  	s5 =	simm.s32 $_scs_section_size  }
0x9b: {  	s6 =	simm.s32 $_size__tile_overlayer_lowered;
	s7 =	simm.s32 $_tile_overlayer_lowered  }
0x9c: {  	s22 =	simm.s32 $0x1BFF;
	s21 =	sshll.u32 s7, $0x1;
	s4 =	sadd.s32 s5, s19  }
0x9d: {  	s8 =	simm.s32 $0x0;
	s20 =	sshll.u32 s6, $0x1;
	s6 =	sadd.s32 s21, s4  }
0x9e: {  	[timem:s8], [sflag:s22] =	dma.local [hbm:s6], s20  }
0x9f: {  	_ =	swait.ge [sflag:s22], s20  }
0xa0: {  	s5 =	ssub.s32 $0x0, s20;
	[sflag:s22] =	ssyncset.done $0x0  }
0xa1: {  	[sflag:s22] =	ssyncadd.s32 s5;
	_ =	sdelay $0x1  }
0xa2: {  	s23 =	simm.s32 $0x1B8B  }
0xa3: {  	_ =	swait.ge [sflag:s23], $0x1  }
0xa4: {  	[sflag:s23] =	ssyncset.done $0x0  }
0xa5: {  	s25 =	simm.s32 $0x1B8E;
	s24 =	sld [smem:$0x3FFE];
	[sflag:s23] =	ssyncadd.s32 $0xFFFFFFFF  }
0xa6: {  	s26 =	simm.s32 $execute0_lowered;
	[smem:$0x3FD2] =	sst s25  }
0xa7: {  	s6 =	sshll.u32 s26, $0x1;
	_ =	strace $0x80000046;
	[dreg:$0x1] =	wrdreg $0xFFFFFFFF  }
0xa8: {  	s28 =	simm.s32 $_size_execute0_lowered;
	s4 =	sadd.s32 s4, s6;
	[dreg:$0x0] =	wrdreg $0x0  }
0xa9: {  	s6 =	sshll.u32 s28, $0x1;
	[dreg:$0x2] =	wrdreg s4  }
0xaa: {  	[dreg:$0x3] =	wrdreg s6  }
0xab: {  	[dreg:$0x4] =	wrdreg $0xC0  }
0xac: {  	_ =	task [dreg:s8], $0x5FFFF  }
0xad: {  	[dreg:$0x1] =	wrdreg $0xFFFFFFFF  }
0xae: {  	[dreg:$0x0] =	wrdreg $0x60  }
0xaf: {  	[dreg:$0x2] =	wrdreg s24  }
0xb0: {  	[dreg:$0x3] =	wrdreg s2  }
0xb1: {  	[dreg:$0x4] =	wrdreg s18  }
0xb2: {  	[dreg:$0x5] =	wrdreg $0x9  }
0xb3: {  	_ =	task.clear_ibuf [dreg:s8], $0x6FFFF;
	_ =	strace $0x90000046  }
0xb4: {  	s29 =	simm.s32 $0x9;
	_ =	strace $0x80000048  }
0xb5: {  	_ =	swait.ge [sflag:s29], $0x1  }
0xb6: {  	[sflag:s29] =	ssyncadd.s32 $0xFFFFFFFF  }
0xb7: {  	_ =	strace $0x90000048  }
0xb8: {  	_ =	sfence  }
0xb9: {  	s30 =	sld [smem:$0x0];
	_ =	sdelay $0x2  }
0xba: {  	s31 =	sshll.u32 s1, $0xD;
	s1 =	sshrl.u32 s1, $0x2  }
0xbb: {  	s3 =	sand.u32 $0x4000, s31;
	s1 =	sadd.s32 s1, s30  }
0xbc: {  	s0 =	sor.u32 s3, s0;
	s1 =	sshll.u32 s1, $0x11  }
0xbd: {  	s0 =	sor.u32 s1, s0  }
0xbe: {  	s0 =	sadd.s32 $0x8F2B, s0  }
0xbf: {  	[sflag:s0] =	ssyncadd.remote.s32 $0x1  }
0xc0: {  	_ =	sfence.sel $0xFFFF  }
0xc1: {  	[dreg:$0x0] =	wrdreg $0xFFFFFFFF;
	(pc) =	sbr.abs _section_cstart, $3  }
0xc2: {  	[dreg:$0x1] =	wrdreg $0xFFFFFFFF  }
0xc3: {  	_ =	task.clear_ibuf [dreg:s8], $0x2FFFF;
	_ =	strace $0x9FFFFFFF  }
0xc4: {  	(tm) =	ssettm $0x7FFFFFFF  }
0xc5: {  	_ =	shalt  }
tec
execute0_lowered:
.L_overlay_start_1:
0x0: {  	(tag) =	ssettag $0x1  }
0x1: {  	s10 =	rddreg [dreg:$0x0]  }
0x2: {  	s1 =	srdreg.scid;
	s7 =	rddreg [dreg:$0x1]  }
0x3: {  	s0 =	stileid.u32;
	s9 =	rddreg [dreg:$0x2]  }
0x4: {  	s2 =	simm.s32 $0x0;
	s14 =	simm.s32 $0xF00;
	s15 =	simm.s32 $0x1700  }
0x5: {  	s16 =	simm.s32 $0xF80;
	s3 =	sand.u32 $0x1, s1;
	s1 =	rddreg [dreg:$0x3]  }
0x6: {  	s17 =	simm.s32 $0x0;
	s31 =	sshll.u32 s0, $0x1;
	[smem:$0x7FF] =	sst s2  }
0x7: {  	s12 =	sor.u32 s3, s31;
	s4 =	ssub.s32 $0x2, s3;
	_ =	strace $0x80000047  }
0x8: {  	s3 =	sadd.s32 $0x800, s10;
	s5 =	smul.u32 $0xC2, s12;
	s6 =	sshrl.u32 s4, $0x1  }
.Ltmp0:
0x9: {  	s13 =	sshll.u32 s12, $0x4;
	p0 =	sne.s32 s12, $0x0;
	(pc) =	sbr.rel .LBB2_1-.Ltmp0, $4  }
0xa: {  	s12 =	simm.s32 $0x1;
	s11 =	ssub.s32 s4, s6;
	s6 =	sadd.s32 $0x2240, s10  }
0xb: {  	s9 =	sadd.s32 s9, s13;
	s13 =	simm.s32 $0x780;
	s8 =	sadd.s32 s5, s10  }
0xc: {  	s5 =	sadd.s32 s7, s5;
	s7 =	sadd.s32 $0x1840, s7;
	s10 =	sadd.s32 $0x3C40, s10  }
0xd: {  	v0 =	vimm.f32 $0.0e+00;
	s11 =	smax.u32 s11, $0x1;
	s4 =	sadd.s32 $0xA00, s8;
	s8 =	sadd.s32 $0x2400, s8  }
.LBB2_6:
0xe: {  	_ =	sdelay $0x3  }
0xf: {  	v2 =	vld.idx.msk [tilespmem:v1+s14+$0x0], $0xffff  }
0x10: {  	v3 =	vld [tilespmem:s18+$0x610];
	_ =	sdelay $0x4  }
0x11: {  	v2 =	vsub.f32 v3, v2;
	_ =	sdelay $0x1  }
0x12: {  	v2 =	vmax.f32 v2, $-1.000000000e+01  }
0x13: {  	v2 =	vmin.f32 v2, $0.0e+00  }
0x14: {  	v2 =	vmul.f32 $1.442695020e+00, v2;
	_ =	sdelay $0x1  }
0x15: {  	(erf) = vpow2.f32 v2;
	_ =	sdelay $0x8  }
0x16: {  	v2 =	vpop (erf)  }
0x17: {  	[tilespmem:s18+$0x1590] =	vst v2  }
0x18: {  	[tilespmem:v1+s15+$0x0] =	vst.idx.add.f32.msk $0xffff, v2  }
.LBB2_7:
0x19: {  	[hbm4b:s8+s2] =	stream.linear.scatter [tilespmem:s16], [sflag:$0x1], $0x610, $0x38;
	[tilespmem:$0x1780] =	vst v63  }
0x1a: {  	_ =	swait.ge [sflag:s12], $0x610  }
0x1b: {  	[sflag:s12] =	ssyncset.done $0x0  }
0x1c: {  	[sflag:s12] =	ssyncadd.s32 $0xFFFFF9F0  }
0x1d: {  	[hbm4b:s9+s2] =	stream.linear.scatter [tilespmem:s15], [sflag:$0x1], $0x80, $0x38;
	[tilespmem:$0x1780] =	vst v63  }
0x1e: {  	_ =	swait.ge [sflag:s12], $0x80  }
0x1f: {  	s18 =	simm.s32 @!p0 $0x0;
	s17 =	sadd.s32 $0x1, s17;
	[sflag:s12] =	ssyncset.done $0x0  }
0x20: {  	s19 =	simm.s32 @!p0 $0x1590;
	p1 =	sne.s32 s17, s11;
	[sflag:s12] =	ssyncadd.s32 $0xFFFFFF80  }
0x21: {  	[hbm4b:s10+s18] =	stream.linear.scatter @!p0 [tilespmem:s19], [sflag:$0x1], $0x150, $0x38;
	[tilespmem:$0x1780] =	vst v63  }
.Ltmp1:
0x22: {  	_ = 	snop;
	(pc) =	sbr.rel @!p1 .LBB2_8-.Ltmp1, $4  }
0x23: {  	s18 =	simm.s32 @!p0 $0x1  }
0x24: {  	_ =	swait.ge @!p0 [sflag:s18], $0x150  }
0x25: {  	[sflag:s18] =	ssyncset.done @!p0 $0x0  }
0x26: {  	[sflag:s18] =	ssyncadd.s32 @!p0 $0xFFFFFEB0  }
.LBB2_1:
0x27: {  	[tilespmem:s2], [sflag:$0x1] =	stream.linear.gather [hbm4b:s4+s2], $0x610, $0x38;
	[tilespmem:$0x1780] =	vst v63  }
0x28: {  	_ =	swait.ge [sflag:s12], $0x610  }
0x29: {  	[sflag:s12] =	ssyncset.done $0x0  }
0x2a: {  	[sflag:s12] =	ssyncadd.s32 $0xFFFFF9F0  }
0x2b: {  	[tilespmem:s13], [sflag:$0x1] =	stream.linear.gather [hbm4b:s5+s2], $0x610, $0x38;
	[tilespmem:$0x1780] =	vst v63  }
0x2c: {  	_ =	swait.ge [sflag:s12], $0x610  }
0x2d: {  	[sflag:s12] =	ssyncset.done $0x0  }
0x2e: {  	[sflag:s12] =	ssyncadd.s32 $0xFFFFF9F0  }
0x2f: {  	[tilespmem:s14], [sflag:$0x1] =	stream.linear.gather [hbm4b:s3+s2], $0x80, $0x38;
	[tilespmem:$0x1780] =	vst v63  }
0x30: {  	_ =	swait.ge [sflag:s12], $0x80  }
0x31: {  	[sflag:s12] =	ssyncset.done $0x0  }
0x32: {  	s18 =	simm.s32 @!p0 $0x0;
	s19 =	simm.s32 @!p0 $0x610;
	[sflag:s12] =	ssyncadd.s32 $0xFFFFFF80  }
0x33: {  	[tilespmem:s19], [sflag:$0x1] =	stream.linear.gather @!p0 [hbm4b:s6+s18], $0x150, $0x38;
	[tilespmem:$0x1780] =	vst v63  }
0x34: {  	s19 =	simm.s32 @!p0 $0x1  }
0x35: {  	_ =	swait.ge @!p0 [sflag:s19], $0x150  }
0x36: {  	[sflag:s19] =	ssyncset.done @!p0 $0x0  }
0x37: {  	s20 =	simm.s32 @!p0 $0xD90;
	[sflag:s19] =	ssyncadd.s32 @!p0 $0xFFFFFEB0  }
0x38: {  	[tilespmem:s20], [sflag:$0x1] =	stream.linear.gather @!p0 [hbm4b:s7+s18], $0x150, $0x38;
	[tilespmem:$0x1780] =	vst v63  }
0x39: {  	_ =	swait.ge @!p0 [sflag:s19], $0x150  }
0x3a: {  	[sflag:s19] =	ssyncset.done @!p0 $0x0  }
0x3b: {  	[sflag:s19] =	ssyncadd.s32 @!p0 $0xFFFFFEB0  }
0x3c: {  	[tilespmem:$0x1700] =	vst v0  }
0x3d: {  	[tilespmem:$0x1710] =	vst v0  }
0x3e: {  	[tilespmem:$0x1720] =	vst v0  }
0x3f: {  	[tilespmem:$0x1730] =	vst v0  }
0x40: {  	[tilespmem:$0x1740] =	vst v0  }
0x41: {  	[tilespmem:$0x1750] =	vst v0  }
0x42: {  	[tilespmem:$0x1760] =	vst v0  }
0x43: {  	s18 =	simm.s32 $0x0;
	[tilespmem:$0x1770] =	vst v0  }
0x44: {  	s19 =	simm.s32 $0x40;
	v1 =	vld [tilespmem:s18+$0x780]  }
.LBB2_2:
0x45: {  	p1 =	sne.s32 s19, $0x1800;
	_ =	sdelay $0x6  }
0x46: {  	v2 =	vld.idx.msk [tilespmem:v1+s14+$0x0], $0xffff  }
0x47: {  	v3 =	vld [tilespmem:s18+$0x0];
	_ =	sdelay $0x4  }
0x48: {  	v2 =	vsub.f32 v3, v2;
	_ =	sdelay $0x1  }
0x49: {  	v2 =	vmax.f32 v2, $-1.000000000e+01  }
0x4a: {  	v2 =	vmin.f32 v2, $0.0e+00  }
0x4b: {  	v2 =	vmul.f32 $1.442695020e+00, v2;
	_ =	sdelay $0x1  }
0x4c: {  	(erf) = vpow2.f32 v2;
	_ =	sdelay $0x7  }
.Ltmp2:
0x4d: {  	(pc) =	sbr.rel @p1 .LBB2_2-.Ltmp2, $4  }
0x4e: {  	v2 =	vpop (erf)  }
0x4f: {  	[tilespmem:s18+$0xF80] =	vst v2  }
0x50: {  	s18 =	sshra.s32 s19, $0x2;
	[tilespmem:v1+s15+$0x0] =	vst.idx.add.f32.msk $0xffff, v2  }
0x51: {  	s19 =	sadd.s32 $0x40, s19;
	v1 =	vld [tilespmem:s18+$0x780]  }
0x52: {  	_ =	sdelay $0x6  }
0x53: {  	v3 =	vld [tilespmem:s18+$0x0]  }
0x54: {  	v2 =	vld.idx.msk [tilespmem:v1+s14+$0x0], $0xffff;
	_ =	sdelay $0x4  }
0x55: {  	v2 =	vsub.f32 v3, v2;
	_ =	sdelay $0x1  }
0x56: {  	v2 =	vmax.f32 v2, $-1.000000000e+01  }
0x57: {  	v2 =	vmin.f32 v2, $0.0e+00  }
0x58: {  	v2 =	vmul.f32 $1.442695020e+00, v2;
	_ =	sdelay $0x1  }
0x59: {  	(erf) = vpow2.f32 v2;
	_ =	sdelay $0x6  }
.Ltmp3:
0x5a: {  	_ = 	snop;
	(pc) =	sbr.rel @p0 .LBB2_7-.Ltmp3, $4  }
0x5b: {  	_ = 	snop  }
0x5c: {  	v2 =	vpop (erf)  }
0x5d: {  	[tilespmem:s18+$0xF80] =	vst v2  }
0x5e: {  	[tilespmem:v1+s15+$0x0] =	vst.idx.add.f32.msk $0xffff, v2  }
0x5f: {  	s18 =	simm.s32 $0x0  }
0x60: {  	s19 =	simm.s32 $0x40;
	v1 =	vld [tilespmem:s18+$0xD90]  }
.LBB2_5:
0x61: {  	p1 =	sne.s32 s19, $0x500;
	_ =	sdelay $0x6  }
0x62: {  	v2 =	vld.idx.msk [tilespmem:v1+s14+$0x0], $0xffff  }
0x63: {  	v3 =	vld [tilespmem:s18+$0x610];
	_ =	sdelay $0x4  }
0x64: {  	v2 =	vsub.f32 v3, v2;
	_ =	sdelay $0x1  }
0x65: {  	v2 =	vmax.f32 v2, $-1.000000000e+01  }
0x66: {  	v2 =	vmin.f32 v2, $0.0e+00  }
0x67: {  	v2 =	vmul.f32 $1.442695020e+00, v2;
	_ =	sdelay $0x1  }
0x68: {  	(erf) = vpow2.f32 v2;
	_ =	sdelay $0x7  }
.Ltmp4:
0x69: {  	(pc) =	sbr.rel @p1 .LBB2_5-.Ltmp4, $4  }
0x6a: {  	v2 =	vpop (erf)  }
0x6b: {  	[tilespmem:s18+$0x1590] =	vst v2  }
0x6c: {  	s18 =	sshra.s32 s19, $0x2;
	[tilespmem:v1+s15+$0x0] =	vst.idx.add.f32.msk $0xffff, v2  }
0x6d: {  	s19 =	sadd.s32 $0x40, s19;
	v1 =	vld [tilespmem:s18+$0xD90]  }
.Ltmp5:
0x6e: {  	_ = 	snop;
	(pc) =	sbr.rel .LBB2_6-.Ltmp5, $1  }
0x6f: {  	_ =	sdelay $0x3  }
.LBB2_8:
0x70: {  	_ =	sfence.sel $0x180000  }
0x71: {  	[bflag:$0x0] =	sbarrier.arrive $0xFFFF  }
0x72: {  	p0 =	sne.s32 s0, $0x0;
	_ =	strace $0x90000047  }
0x73: {  	s0 =	sadd.s32 @!p0 $0x100000, s1;
	[bflag:$0x2] =	sbarrier.arrive $0xFFFF  }
0x74: {  	[sflag:s0] =	ssyncadd.tile.s32 @!p0 $0x1;
	_ =	shalt  }
.Lfunc_end2:
_tile_overlayer_lowered:
.L_overlay_start_2:
0x75: {  	(tag) =	ssettag $0x2  }
0x76: {  	s0 =	rddreg [dreg:$0x0];
	s2 =	stileid.u32  }
0x77: {  	s1 =	rddreg [dreg:$0x1];
	p0 =	sne.s32 s2, $0x0  }
0x78: {  	s3 =	rddreg [dreg:$0x2];
	[bflag:$0x3] =	sbarrier.arrive $0xFFFF;
	s2 =	simm.s32 @!p0 $0x1C01  }
0x79: {  	[timem:s3], [sflag:s2] =	dma.local @!p0 [hbm:s0], s1  }
0x7a: {  	s0 =	simm.s32 @!p0 $0x1  }
0x7b: {  	_ =	swait.ge @!p0 [sflag:s0], s1  }
0x7c: {  	s1 =	ssub.s32 @!p0 $0x0, s1;
	[sflag:s0] =	ssyncset.done @!p0 $0x0  }
0x7d: {  	[sflag:s0] =	ssyncadd.s32 @!p0 s1  }
0x7e: {  	[bflag:$0x3] =	sbarrier.arrive $0xFFFF  }
0x7f: {  	_ =	shalt  }

</sc_bundles>
